<compile_context>
chip_gen: v7x
topology: tpu7x:2x2x1
jax: 0.10.2.dev20260603
libtpu: 0.0.44.dev20260713+nightly
codegen_flags: <defaults>
</compile_context>

<pallas_src>
import jax
import jax.numpy as jnp
from jax import lax
from jax.experimental import pallas as pl
from jax.experimental.pallas import tpu as pltpu
from jax.experimental.pallas import tpu_sc as plsc

_B, _H, _W, _C = 2, 64, 512, 64
_OH, _OW = 32, 256
_K = 16
_R2 = 2.5 * 2.5
_N = _OH * _OW
_M = _B * _N * _K
_NP = _H * _W
_ZROW = _B * _NP
_NT = _ZROW + 8
_PAIRS = _B * _OH
_NW = 32
_PPW = _PAIRS // _NW


def _sc_body(xyzflat, xyztab, ptstab, fpts, fxyz,
             stage, slots, pbuf, xbuf, sem, sem2):
    i32 = jnp.int32
    wid = lax.axis_index("s") * 2 + lax.axis_index("c")
    lane = lax.iota(i32, 16)

    def do_pair(k, _):
        pair = wid * _PPW + k
        b = pair // _OH
        oh = pair % _OH
        s = jnp.clip(2 * oh - 3, 0, _H - 6)
        pltpu.sync_copy(
            xyzflat.at[pl.ds((b * _NP + s * _W) * 4, 6 * _W * 4)], stage)

        def init(t, _):
            slots[pl.ds(t * 16, 16)] = jnp.full((16,), _ZROW, i32)
            return _
        lax.fori_loop(0, 256, init, 0)

        def do_cg(cg, _):
            ow = cg * 16 + lane
            ow2 = 2 * ow
            slotbase = ow * _K
            cidx = ((2 * oh - s) * _W + ow2) * 4
            cx = plsc.load_gather(stage, [cidx])
            cy = plsc.load_gather(stage, [cidx + 1])
            cz = plsc.load_gather(stage, [cidx + 2])

            def row_cond(state):
                ih, cnt = state
                return jnp.logical_and(ih < 6, jnp.min(cnt) < _K)

            def row_body(state):
                ih, cnt = state
                row = 2 * oh + ih - 3
                rowok = jnp.logical_and(row >= 0, row < _H)
                rb = jnp.clip(row - s, 0, 5)
                rowbase = rb * (_W * 4)
                gbase = b * _NP + row * _W
                for iw in range(12):
                    col = ow2 + (iw - 6)
                    colok = jnp.logical_and(col >= 0, col < _W)
                    colc = jnp.clip(col, 0, _W - 1)
                    gi = rowbase + colc * 4
                    gx = plsc.load_gather(stage, [gi])
                    gy = plsc.load_gather(stage, [gi + 1])
                    gz = plsc.load_gather(stage, [gi + 2])
                    d2 = ((gx - cx) * (gx - cx) + (gy - cy) * (gy - cy)
                          + (gz - cz) * (gz - cz))
                    valid = jnp.logical_and(
                        jnp.logical_and(colok, d2 < _R2), rowok)
                    sel = jnp.logical_and(valid, cnt < _K)
                    plsc.store_scatter(slots, [slotbase + cnt],
                                       gbase + colc, mask=sel)
                    cnt = cnt + valid.astype(i32)
                return ih + 1, cnt

            lax.while_loop(row_cond, row_body,
                           (jnp.int32(0), jnp.zeros((16,), i32)))
            return _
        lax.fori_loop(0, 16, do_cg, 0)

        def do_chunk(ci, _):
            r0 = pair * (_OW * _K) + ci * 1024
            idxrow = slots.at[pl.ds(ci * 1024, 1024)]
            cp = pltpu.async_copy(ptstab.at[idxrow], pbuf, sem)
            cx2 = pltpu.async_copy(xyztab.at[idxrow], xbuf, sem2)
            cp.wait()
            cx2.wait()
            pltpu.sync_copy(pbuf, fpts.at[pl.ds(r0, 1024)])
            pltpu.sync_copy(xbuf, fxyz.at[pl.ds(r0, 1024)])
            return _
        lax.fori_loop(0, 4, do_chunk, 0)
        return _

    lax.fori_loop(0, _PPW, do_pair, 0)


def _tc_body(fpts, fxyz, nxr, w1x, w1p, b1, w2, b2, out):
    f32 = jnp.float32
    pts = fpts[...]
    xd = fxyz[...][:, 0:3] - nxr[...]
    h1 = (jnp.dot(pts, w1p[...].astype(jnp.bfloat16),
                  preferred_element_type=f32)
          + jnp.dot(xd, w1x[...], preferred_element_type=f32) + b1[...])
    h1 = jnp.maximum(h1, 0.0)
    h2 = jnp.dot(h1.astype(jnp.bfloat16), w2[...].astype(jnp.bfloat16),
                 preferred_element_type=f32) + b2[...]
    h2 = jnp.maximum(h2, 0.0)
    out[...] = jnp.max(h2.reshape(_OW, _K, 128), axis=1)


def kernel(xyz_proj, points_proj, xyz_sampled_proj, W1, b1, W2, b2):
    f32 = jnp.float32
    xyz4 = jnp.pad(xyz_proj.reshape(_B * _NP, 3), ((0, 8), (0, 13)))
    ptstab = jnp.pad(points_proj.reshape(_B * _NP, _C),
                     ((0, 8), (0, 0))).astype(jnp.bfloat16)
    xyzflat = jnp.pad(xyz_proj.reshape(_B * _NP, 3),
                      ((0, 0), (0, 1))).reshape(_B * _NP * 4)

    mesh = plsc.VectorSubcoreMesh(core_axis_name="c", subcore_axis_name="s")
    fpts, fxyz = pl.kernel(
        _sc_body,
        out_type=[jax.ShapeDtypeStruct((_M, _C), jnp.bfloat16),
                  jax.ShapeDtypeStruct((_M, 16), f32)],
        mesh=mesh,
        scratch_types=[
            pltpu.VMEM((6 * _W * 4,), f32),
            pltpu.VMEM((4096,), jnp.int32),
            pltpu.VMEM((1024, _C), jnp.bfloat16),
            pltpu.VMEM((1024, 16), f32),
            pltpu.SemaphoreType.DMA,
            pltpu.SemaphoreType.DMA,
        ],
        compiler_params=pltpu.CompilerParams(needs_layout_passes=False,
                                             use_tc_tiling_on_sc=False),
    )(xyzflat, xyz4, ptstab)

    return _tc_part(fpts, fxyz, xyz_sampled_proj, W1, b1, W2, b2)


def _tc_part(fpts, fxyz, xyz_sampled_proj, W1, b1, W2, b2):
    f32 = jnp.float32
    nxr = jnp.broadcast_to(
        xyz_sampled_proj.reshape(_B, _N, 1, 3),
        (_B, _N, _K, 3)).reshape(_M, 3)
    grid = (_M // (_OW * _K),)
    out = pl.pallas_call(
        _tc_body,
        grid=grid,
        in_specs=[
            pl.BlockSpec((_OW * _K, _C), lambda m: (m, 0)),
            pl.BlockSpec((_OW * _K, 16), lambda m: (m, 0)),
            pl.BlockSpec((_OW * _K, 3), lambda m: (m, 0)),
            pl.BlockSpec((3, 64), lambda m: (0, 0)),
            pl.BlockSpec((64, 64), lambda m: (0, 0)),
            pl.BlockSpec((1, 64), lambda m: (0, 0)),
            pl.BlockSpec((64, 128), lambda m: (0, 0)),
            pl.BlockSpec((1, 128), lambda m: (0, 0)),
        ],
        out_specs=pl.BlockSpec((_OW, 128), lambda m: (m, 0)),
        out_shape=jax.ShapeDtypeStruct((_B * _N, 128), f32),
        compiler_params=pltpu.CompilerParams(
            dimension_semantics=("arbitrary",)),
    )(fpts, fxyz, nxr, W1[0:3], W1[3:], b1.reshape(1, 64), W2,
      b2.reshape(1, 128))
    return (out.reshape(_B, _N, 128), out.reshape(_B, _OH, _OW, 128))

# --- scband reference (transcript-rebuilt; emitter-appended) ---
"""Pipeline reference for scband-point-net-sa-module-52604759441832 (READ-ONLY COPY).

The authoritative reference and input builder live on the scoring server;
editing this copy changes nothing except your own understanding.
"""

import jax, jax.numpy as jnp
import numpy as np

B = 2
H = 64
W = 512
C = 64
OUT_H = 32
OUT_W = 256
S_H = 2
S_W = 2
KH = 6
KW = 12
K_SAMPLE = 16
DIST = 2.5


def setup_inputs(seed: int = 0) -> dict:
    key = jax.random.key(seed)
    k1, k2, k3, k4, k5 = jax.random.split(key, 5)
    xyz_proj = jax.random.normal(k1, (B, H, W, 3), dtype=jnp.float32)
    points_proj = jax.random.normal(k2, (B, H, W, C), dtype=jnp.float32)
    xyz_sampled_proj = jax.random.normal(k3, (B, OUT_H, OUT_W, 3), dtype=jnp.float32)
    c_in = C + 3
    W1 = jax.random.normal(k4, (c_in, 64), dtype=jnp.float32) * (1.0 / np.sqrt(c_in))
    b1 = jnp.zeros((64,), dtype=jnp.float32)
    W2 = jax.random.normal(k5, (64, 128), dtype=jnp.float32) * (1.0 / np.sqrt(64.0))
    b2 = jnp.zeros((128,), dtype=jnp.float32)
    return {"xyz_proj": xyz_proj, "points_proj": points_proj, "xyz_sampled_proj": xyz_sampled_proj,
            "W1": W1, "b1": b1, "W2": W2, "b2": b2}


def reference(xyz_proj, points_proj, xyz_sampled_proj, W1, b1, W2, b2):
    n = OUT_H * OUT_W
    kt = KH * KW
    # sampled center coordinates on the H x W grid (get_hw_idx)
    hc = jnp.arange(OUT_H) * S_H
    wc = jnp.arange(OUT_W) * S_W
    Hg, Wg = jnp.meshgrid(hc, wc, indexing='ij')
    ctr_h = Hg.reshape(-1)
    ctr_w = Wg.reshape(-1)
    # kernel-window candidate offsets (random_HW = arange -> deterministic traversal)
    dh = jnp.arange(KH) - KH // 2
    dw = jnp.arange(KW) - KW // 2
    DH, DW = jnp.meshgrid(dh, dw, indexing='ij')
    DH = DH.reshape(-1)
    DW = DW.reshape(-1)
    cand_h = ctr_h[:, None] + DH[None, :]
    cand_w = ctr_w[:, None] + DW[None, :]
    in_range = (cand_h >= 0) & (cand_h < H) & (cand_w >= 0) & (cand_w < W)
    ch = jnp.clip(cand_h, 0, H - 1)
    cw = jnp.clip(cand_w, 0, W - 1)
    flat_idx = ch * W + cw  # (n, kt)
    xyz_flat = xyz_proj.reshape(B, H * W, 3)
    pts_flat = points_proj.reshape(B, H * W, C)
    # candidate xyz and center xyz -> radius filtering (fused_conv_random_k emulation)
    cand_xyz = jnp.take(xyz_flat, flat_idx.reshape(-1), axis=1).reshape(B, n, kt, 3)
    ctr_idx = ctr_h * W + ctr_w
    ctr_xyz = jnp.take(xyz_flat, ctr_idx, axis=1)  # (B, n, 3)
    d2 = jnp.sum((cand_xyz - ctr_xyz[:, :, None, :]) ** 2, axis=-1)
    mask = in_range[None, :, :] & (d2 < DIST * DIST)
    # select first K_SAMPLE valid candidates in traversal order
    order = jnp.arange(kt)
    keyv = jnp.where(mask, order[None, None, :], kt + order[None, None, :])
    perm = jnp.argsort(keyv, axis=-1)[..., :K_SAMPLE]
    sel_valid = jnp.take_along_axis(mask, perm, axis=-1)
    flat_b = jnp.broadcast_to(flat_idx[None, :, :], (B, n, kt))
    sel_flat = jnp.take_along_axis(flat_b, perm, axis=-1)
    neighbor_idx = jnp.where(sel_valid, sel_flat, 0)  # (B, n, K)
    valid_mask = sel_valid.astype(jnp.float32)[..., None]
    # gather grouped xyz / features
    ni = neighbor_idx.reshape(B, -1)
    new_xyz_group = jnp.take_along_axis(xyz_flat, ni[..., None], axis=1).reshape(B, n, K_SAMPLE, 3)
    new_xyz_group = new_xyz_group * valid_mask
    new_points_group = jnp.take_along_axis(pts_flat, ni[..., None], axis=1).reshape(B, n, K_SAMPLE, C)
    new_points_group = new_points_group * valid_mask
    new_xyz = xyz_sampled_proj.reshape(B, -1, 3)
    xyz_diff = new_xyz_group - new_xyz[:, :, None, :]
    feat = jnp.concatenate([xyz_diff, new_points_group], axis=-1)
    # 1x1 conv MLP (no BN), ReLU
    feat = jax.nn.relu(feat @ W1 + b1)
    feat = jax.nn.relu(feat @ W2 + b2)
    # max pooling over neighbors
    points_down_sample = jnp.max(feat, axis=2)  # (B, n, 128)
    points_down_sample_proj = points_down_sample.reshape(B, OUT_H, OUT_W, -1)
    return (points_down_sample, points_down_sample_proj)

if __name__ == "__main__":
    import jax
    _d = setup_inputs()
    print(jax.jit(kernel)(*tuple(_d.values())))

</pallas_src>

<mosaic_0001>
#map = affine_map<(d0, d1) -> (0)>
#map1 = affine_map<(d0, d1) -> (0, 0)>
module attributes {stable_mosaic.version = 14 : i64} {
  func.func @_sc_body(%arg0: i32, %arg1: i32, %arg2: memref<262144xf32, #tpu.memory_space<hbm>>, %arg3: memref<65544x16xf32, #tpu.memory_space<hbm>>, %arg4: memref<65544x64xbf16, #tpu.memory_space<hbm>>, %arg5: memref<262144x64xbf16, #tpu.memory_space<hbm>>, %arg6: memref<262144x16xf32, #tpu.memory_space<hbm>>, %arg7: memref<12288xf32, #tpu.memory_space<vmem>>, %arg8: memref<4096xi32, #tpu.memory_space<vmem>>, %arg9: memref<1024x64xbf16, #tpu.memory_space<vmem>>, %arg10: memref<1024x16xf32, #tpu.memory_space<vmem>>, %arg11: memref<!tpu.dma_semaphore, #tpu.memory_space<semaphore_mem>>, %arg12: memref<!tpu.dma_semaphore, #tpu.memory_space<semaphore_mem>>) attributes {dimension_semantics = [#tpu.dimension_semantics<core_parallel>, #tpu.dimension_semantics<subcore_parallel>], iteration_bounds = array<i64: 2, 16>, scalar_prefetch = 0 : i64, scratch_operands = 6 : i64, tpu.core_type = #tpu.core_type<sc_vector_subcore>, window_params = [{transform_indices = #map}, {transform_indices = #map1}, {transform_indices = #map1}, {transform_indices = #map1}, {transform_indices = #map1}]} {
    %mul3A = arith.constant 2 : i32
    %mul3A_0 = arith.muli %arg1, %mul3A : i32
    %add3A = arith.addi %mul3A_0, %arg0 : i32
    %iota3A = tpu.iota {dimensions = array<i32: 0>} : vector<16xi32>
    %scan3A = arith.constant 0 : i32
    %scan3A_1 = arith.constant 0 : i32
    %scan3A_2 = arith.constant 2 : i32
    %scan3A_3 = arith.addi %scan3A_1, %scan3A_2 : i32
    %scan3A_4 = arith.constant 1 : i32
    scf.for %scan3A_6 = %scan3A_1 to %scan3A_3 step %scan3A_4  : i32 {
      %mul3A_7 = arith.constant 2 : i32
      %mul3A_8 = arith.muli %add3A, %mul3A_7 : i32
      %add3A_9 = arith.addi %mul3A_8, %scan3A_6 : i32
      %jit3A = arith.constant 32 : i32
      %div3A = arith.divsi %add3A_9, %jit3A : i32
      %sign3A = arith.constant 0 : i32
      %sign3A_10 = arith.cmpi sgt, %add3A_9, %sign3A : i32
      %sign3A_11 = arith.extui %sign3A_10 : i1 to i32
      %sign3A_12 = arith.constant 0 : i32
      %sign3A_13 = arith.cmpi slt, %add3A_9, %sign3A_12 : i32
      %sign3A_14 = arith.extui %sign3A_13 : i1 to i32
      %sign3A_15 = arith.subi %sign3A_11, %sign3A_14 : i32
      %sign3A_16 = arith.constant 0 : i32
      %sign3A_17 = arith.cmpi sgt, %jit3A, %sign3A_16 : i32
      %sign3A_18 = arith.extui %sign3A_17 : i1 to i32
      %sign3A_19 = arith.constant 0 : i32
      %sign3A_20 = arith.cmpi slt, %jit3A, %sign3A_19 : i32
      %sign3A_21 = arith.extui %sign3A_20 : i1 to i32
      %sign3A_22 = arith.subi %sign3A_18, %sign3A_21 : i32
      %ne3A = arith.cmpi ne, %sign3A_15, %sign3A_22 : i32
      %rem3A = arith.remsi %add3A_9, %jit3A : i32
      %ne3A_23 = arith.constant 0 : i32
      %ne3A_24 = arith.cmpi ne, %rem3A, %ne3A_23 : i32
      %and3A = arith.andi %ne3A, %ne3A_24 : i1
      %sub3A = arith.constant 1 : i32
      %sub3A_25 = arith.subi %div3A, %sub3A : i32
      %select_n3A = arith.select %and3A, %sub3A_25, %div3A : i32
      %jit3A_26 = arith.constant 32 : i32
      %eq3A = arith.constant 0 : i32
      %eq3A_27 = arith.cmpi eq, %jit3A_26, %eq3A : i32
      %jit3A_28 = arith.constant 1 : i32
      %select_n3A_29 = arith.select %eq3A_27, %jit3A_28, %jit3A_26 : i32
      %rem3A_30 = arith.remsi %add3A_9, %select_n3A_29 : i32
      %ne3A_31 = arith.constant 0 : i32
      %ne3A_32 = arith.cmpi ne, %rem3A_30, %ne3A_31 : i32
      %lt3A = arith.constant 0 : i32
      %lt3A_33 = arith.cmpi slt, %rem3A_30, %lt3A : i32
      %lt3A_34 = arith.constant 0 : i32
      %lt3A_35 = arith.cmpi slt, %select_n3A_29, %lt3A_34 : i32
      %ne3A_36 = arith.xori %lt3A_33, %lt3A_35 : i1
      %and3A_37 = arith.andi %ne3A_36, %ne3A_32 : i1
      %add3A_38 = arith.addi %rem3A_30, %select_n3A_29 : i32
      %select_n3A_39 = arith.select %and3A_37, %add3A_38, %rem3A_30 : i32
      %mul3A_40 = arith.constant 2 : i32
      %mul3A_41 = arith.muli %mul3A_40, %select_n3A_39 : i32
      %sub3A_42 = arith.constant 3 : i32
      %sub3A_43 = arith.subi %mul3A_41, %sub3A_42 : i32
      %jit3A_44 = arith.constant 0 : i32
      %jit3A_45 = arith.constant 58 : i32
      %max3A = arith.maxsi %jit3A_44, %sub3A_43 : i32
      %min3A = arith.minsi %jit3A_45, %max3A : i32
      %mul3A_46 = arith.constant 32768 : i32
      %mul3A_47 = arith.muli %select_n3A, %mul3A_46 : i32
      %mul3A_48 = arith.constant 512 : i32
      %mul3A_49 = arith.muli %min3A, %mul3A_48 : i32
      %add3A_50 = arith.addi %mul3A_47, %mul3A_49 : i32
      %mul3A_51 = arith.constant 4 : i32
      %mul3A_52 = arith.muli %add3A_50, %mul3A_51 : i32
      "tpu.region"() ({
        %run_scoped3A = tpu.sem_alloc : memref<!tpu.dma_semaphore, #tpu.memory_space<semaphore_mem>>
        %dma_start3A = tpu.memref_slice %arg2[%mul3A_52] : memref<262144xf32, #tpu.memory_space<hbm>> -> memref<12288xf32, #tpu.memory_space<hbm>>
        %dma_start3A_71 = tpu.memref_slice %arg2[%mul3A_52] : memref<262144xf32, #tpu.memory_space<hbm>> -> memref<12288xf32, #tpu.memory_space<hbm>>
        tpu.enqueue_dma source(%dma_start3A_71 : memref<12288xf32, #tpu.memory_space<hbm>>) target(%arg7 : memref<12288xf32, #tpu.memory_space<vmem>>) target_semaphore(%run_scoped3A : memref<!tpu.dma_semaphore, #tpu.memory_space<semaphore_mem>>)
        %dma_wait3A = tpu.memref_slice %arg2[%mul3A_52] : memref<262144xf32, #tpu.memory_space<hbm>> -> memref<12288xf32, #tpu.memory_space<hbm>>
        %dma_wait3A_72 = tpu.memref_slice %arg2[%mul3A_52] : memref<262144xf32, #tpu.memory_space<hbm>> -> memref<12288xf32, #tpu.memory_space<hbm>>
        tpu.wait_dma2 semaphore(%run_scoped3A : memref<!tpu.dma_semaphore, #tpu.memory_space<semaphore_mem>>) src(%dma_wait3A_72 : memref<12288xf32, #tpu.memory_space<hbm>>) dst(%arg7 : memref<12288xf32, #tpu.memory_space<vmem>>)
        tpu.yield
      }) : () -> ()
      %scan3A_53 = arith.constant 0 : i32
      %scan3A_54 = arith.constant 0 : i32
      %scan3A_55 = arith.constant 256 : i32
      %scan3A_56 = arith.addi %scan3A_54, %scan3A_55 : i32
      %scan3A_57 = arith.constant 1 : i32
      scf.for %scan3A_71 = %scan3A_54 to %scan3A_56 step %scan3A_57  : i32 {
        %broadcast_in_dim3A = arith.constant 65536 : i32
        %broadcast_in_dim3A_72 = vector.broadcast %broadcast_in_dim3A : i32 to vector<16xi32>
        %mul3A_73 = arith.constant 16 : i32
        %mul3A_74 = arith.muli %scan3A_71, %mul3A_73 : i32
        %swap3A = arith.index_cast %mul3A_74 : i32 to index
        %swap3A_75 = tpu.vector_load %arg8[%swap3A] {strides = array<i32>} : memref<4096xi32, #tpu.memory_space<vmem>>, vector<16xi32>,
        tpu.vector_store %arg8[%swap3A], %broadcast_in_dim3A_72 {strides = array<i32>} : memref<4096xi32, #tpu.memory_space<vmem>>, vector<16xi32>,
      }
      %scan3A_58 = arith.constant 256 : i32
      %scan3A_59 = arith.constant 0 : i32
      %scan3A_60 = arith.constant 0 : i32
      %scan3A_61 = arith.constant 16 : i32
      %scan3A_62 = arith.addi %scan3A_60, %scan3A_61 : i32
      %scan3A_63 = arith.constant 1 : i32
      scf.for %scan3A_71 = %scan3A_60 to %scan3A_62 step %scan3A_63  : i32 {
        %mul3A_72 = arith.constant 16 : i32
        %mul3A_73 = arith.muli %scan3A_71, %mul3A_72 : i32
        %add3A_74 = vector.broadcast %mul3A_73 : i32 to vector<16xi32>
        %add3A_75 = arith.addi %add3A_74, %iota3A : vector<16xi32>
        %mul3A_76 = arith.constant 2 : i32
        %mul3A_77 = vector.broadcast %mul3A_76 : i32 to vector<16xi32>
        %mul3A_78 = arith.muli %mul3A_77, %add3A_75 : vector<16xi32>
        %mul3A_79 = arith.constant 16 : i32
        %mul3A_80 = vector.broadcast %mul3A_79 : i32 to vector<16xi32>
        %mul3A_81 = arith.muli %add3A_75, %mul3A_80 : vector<16xi32>
        %mul3A_82 = arith.constant 2 : i32
        %mul3A_83 = arith.muli %mul3A_82, %select_n3A_39 : i32
        %sub3A_84 = arith.subi %mul3A_83, %min3A : i32
        %mul3A_85 = arith.constant 512 : i32
        %mul3A_86 = arith.muli %sub3A_84, %mul3A_85 : i32
        %add3A_87 = vector.broadcast %mul3A_86 : i32 to vector<16xi32>
        %add3A_88 = arith.addi %add3A_87, %mul3A_78 : vector<16xi32>
        %mul3A_89 = arith.constant 4 : i32
        %mul3A_90 = vector.broadcast %mul3A_89 : i32 to vector<16xi32>
        %mul3A_91 = arith.muli %add3A_88, %mul3A_90 : vector<16xi32>
        %gather3A = tpu.vector_load_idx %arg7[%mul3A_91] : memref<12288xf32, #tpu.memory_space<vmem>>[vector<16xi32>], vector<16xf32>,
        %add3A_92 = arith.constant 1 : i32
        %add3A_93 = vector.broadcast %add3A_92 : i32 to vector<16xi32>
        %add3A_94 = arith.addi %mul3A_91, %add3A_93 : vector<16xi32>
        %gather3A_95 = tpu.vector_load_idx %arg7[%add3A_94] : memref<12288xf32, #tpu.memory_space<vmem>>[vector<16xi32>], vector<16xf32>,
        %add3A_96 = arith.constant 2 : i32
        %add3A_97 = vector.broadcast %add3A_96 : i32 to vector<16xi32>
        %add3A_98 = arith.addi %mul3A_91, %add3A_97 : vector<16xi32>
        %gather3A_99 = tpu.vector_load_idx %arg7[%add3A_98] : memref<12288xf32, #tpu.memory_space<vmem>>[vector<16xi32>], vector<16xf32>,
        %broadcast_in_dim3A = arith.constant 0 : i32
        %broadcast_in_dim3A_100 = vector.broadcast %broadcast_in_dim3A : i32 to vector<16xi32>
        %while3A = arith.constant 0 : i32
        %while3A_101:2 = scf.while (%while3A_102 = %while3A, %while3A_103 = %broadcast_in_dim3A_100) : (i32, vector<16xi32>) -> (i32, vector<16xi32>) {
          %lt3A_104 = arith.constant 6 : i32
          %lt3A_105 = arith.cmpi slt, %while3A_102, %lt3A_104 : i32
          %reduce_min3A = arith.constant true
          %reduce_min3A_106 = vector.broadcast %reduce_min3A : i1 to vector<16xi1>
          %reduce_min3A_107 = arith.constant -2147483648 : i32
          %reduce_min3A_108 = vector.broadcast %reduce_min3A_107 : i32 to vector<16xi32>
          %reduce_min3A_109 = arith.xori %while3A_103, %reduce_min3A_108 : vector<16xi32>
          %reduce_min3A_110 = tpu.scan <min>, %reduce_min3A_109 masked %reduce_min3A_106 : vector<16xi32>, vector<16xi1> -> vector<16xi32>
          %reduce_min3A_111 = arith.xori %reduce_min3A_110, %reduce_min3A_108 : vector<16xi32>
          %reduce_min3A_112 = vector.extract %reduce_min3A_111[15] : i32 from vector<16xi32>
          %lt3A_113 = arith.constant 16 : i32
          %lt3A_114 = arith.cmpi slt, %reduce_min3A_112, %lt3A_113 : i32
          %and3A_115 = arith.andi %lt3A_105, %lt3A_114 : i1
          scf.condition(%and3A_115) %while3A_102, %while3A_103 : i32, vector<16xi32>
        } do {
        ^bb0(%while3A_102: i32, %while3A_103: vector<16xi32>):
          %mul3A_104 = arith.constant 2 : i32
          %mul3A_105 = arith.muli %mul3A_104, %select_n3A_39 : i32
          %add3A_106 = arith.addi %mul3A_105, %while3A_102 : i32
          %sub3A_107 = arith.constant 3 : i32
          %sub3A_108 = arith.subi %add3A_106, %sub3A_107 : i32
          %ge3A = arith.constant 0 : i32
          %ge3A_109 = arith.cmpi sge, %sub3A_108, %ge3A : i32
          %lt3A_110 = arith.constant 64 : i32
          %lt3A_111 = arith.cmpi slt, %sub3A_108, %lt3A_110 : i32
          %and3A_112 = arith.andi %ge3A_109, %lt3A_111 : i1
          %sub3A_113 = arith.subi %sub3A_108, %min3A : i32
          %jit3A_114 = arith.constant 0 : i32
          %jit3A_115 = arith.constant 5 : i32
          %max3A_116 = arith.maxsi %jit3A_114, %sub3A_113 : i32
          %min3A_117 = arith.minsi %jit3A_115, %max3A_116 : i32
          %mul3A_118 = arith.constant 2048 : i32
          %mul3A_119 = arith.muli %min3A_117, %mul3A_118 : i32
          %mul3A_120 = arith.constant 32768 : i32
          %mul3A_121 = arith.muli %select_n3A, %mul3A_120 : i32
          %mul3A_122 = arith.constant 512 : i32
          %mul3A_123 = arith.muli %sub3A_108, %mul3A_122 : i32
          %add3A_124 = arith.addi %mul3A_121, %mul3A_123 : i32
          %add3A_125 = arith.constant -6 : i32
          %add3A_126 = vector.broadcast %add3A_125 : i32 to vector<16xi32>
          %add3A_127 = arith.addi %mul3A_78, %add3A_126 : vector<16xi32>
          %ge3A_128 = arith.constant 0 : i32
          %ge3A_129 = vector.broadcast %ge3A_128 : i32 to vector<16xi32>
          %ge3A_130 = arith.cmpi sge, %add3A_127, %ge3A_129 : vector<16xi32>
          %lt3A_131 = arith.constant 512 : i32
          %lt3A_132 = vector.broadcast %lt3A_131 : i32 to vector<16xi32>
          %lt3A_133 = arith.cmpi slt, %add3A_127, %lt3A_132 : vector<16xi32>
          %and3A_134 = arith.andi %ge3A_130, %lt3A_133 : vector<16xi1>
          %jit3A_135 = arith.constant 0 : i32
          %jit3A_136 = arith.constant 511 : i32
          %max3A_137 = vector.broadcast %jit3A_135 : i32 to vector<16xi32>
          %max3A_138 = arith.maxsi %max3A_137, %add3A_127 : vector<16xi32>
          %min3A_139 = vector.broadcast %jit3A_136 : i32 to vector<16xi32>
          %min3A_140 = arith.minsi %min3A_139, %max3A_138 : vector<16xi32>
          %mul3A_141 = arith.constant 4 : i32
          %mul3A_142 = vector.broadcast %mul3A_141 : i32 to vector<16xi32>
          %mul3A_143 = arith.muli %min3A_140, %mul3A_142 : vector<16xi32>
          %add3A_144 = vector.broadcast %mul3A_119 : i32 to vector<16xi32>
          %add3A_145 = arith.addi %add3A_144, %mul3A_143 : vector<16xi32>
          %gather3A_146 = tpu.vector_load_idx %arg7[%add3A_145] : memref<12288xf32, #tpu.memory_space<vmem>>[vector<16xi32>], vector<16xf32>,
          %add3A_147 = arith.constant 1 : i32
          %add3A_148 = vector.broadcast %add3A_147 : i32 to vector<16xi32>
          %add3A_149 = arith.addi %add3A_145, %add3A_148 : vector<16xi32>
          %gather3A_150 = tpu.vector_load_idx %arg7[%add3A_149] : memref<12288xf32, #tpu.memory_space<vmem>>[vector<16xi32>], vector<16xf32>,
          %add3A_151 = arith.constant 2 : i32
          %add3A_152 = vector.broadcast %add3A_151 : i32 to vector<16xi32>
          %add3A_153 = arith.addi %add3A_145, %add3A_152 : vector<16xi32>
          %gather3A_154 = tpu.vector_load_idx %arg7[%add3A_153] : memref<12288xf32, #tpu.memory_space<vmem>>[vector<16xi32>], vector<16xf32>,
          %sub3A_155 = arith.subf %gather3A_146, %gather3A : vector<16xf32>
          %sub3A_156 = arith.subf %gather3A_146, %gather3A : vector<16xf32>
          %mul3A_157 = arith.mulf %sub3A_155, %sub3A_156 : vector<16xf32>
          %sub3A_158 = arith.subf %gather3A_150, %gather3A_95 : vector<16xf32>
          %sub3A_159 = arith.subf %gather3A_150, %gather3A_95 : vector<16xf32>
          %mul3A_160 = arith.mulf %sub3A_158, %sub3A_159 : vector<16xf32>
          %add3A_161 = arith.addf %mul3A_157, %mul3A_160 : vector<16xf32>
          %sub3A_162 = arith.subf %gather3A_154, %gather3A_99 : vector<16xf32>
          %sub3A_163 = arith.subf %gather3A_154, %gather3A_99 : vector<16xf32>
          %mul3A_164 = arith.mulf %sub3A_162, %sub3A_163 : vector<16xf32>
          %add3A_165 = arith.addf %add3A_161, %mul3A_164 : vector<16xf32>
          %lt3A_166 = arith.constant 6.250000e+00 : f32
          %lt3A_167 = vector.broadcast %lt3A_166 : f32 to vector<16xf32>
          %lt3A_168 = arith.cmpf olt, %add3A_165, %lt3A_167 : vector<16xf32>
          %and3A_169 = arith.andi %and3A_134, %lt3A_168 : vector<16xi1>
          %and3A_170 = vector.broadcast %and3A_112 : i1 to vector<16xi1>
          %and3A_171 = arith.andi %and3A_169, %and3A_170 : vector<16xi1>
          %lt3A_172 = arith.constant 16 : i32
          %lt3A_173 = vector.broadcast %lt3A_172 : i32 to vector<16xi32>
          %lt3A_174 = arith.cmpi slt, %while3A_103, %lt3A_173 : vector<16xi32>
          %and3A_175 = arith.andi %and3A_171, %lt3A_174 : vector<16xi1>
          %add3A_176 = arith.addi %mul3A_81, %while3A_103 : vector<16xi32>
          %add3A_177 = vector.broadcast %add3A_124 : i32 to vector<16xi32>
          %add3A_178 = arith.addi %add3A_177, %min3A_140 : vector<16xi32>
          tpu.vector_store_idx %arg8[%add3A_176], %add3A_178 masked %and3A_175 : memref<4096xi32, #tpu.memory_space<vmem>>[vector<16xi32>], vector<16xi32>, vector<16xi1>
          %convert_element_type3A = arith.extui %and3A_171 : vector<16xi1> to vector<16xi32>
          %add3A_179 = arith.addi %while3A_103, %convert_element_type3A : vector<16xi32>
          %add3A_180 = arith.constant -5 : i32
          %add3A_181 = vector.broadcast %add3A_180 : i32 to vector<16xi32>
          %add3A_182 = arith.addi %mul3A_78, %add3A_181 : vector<16xi32>
          %ge3A_183 = arith.constant 0 : i32
          %ge3A_184 = vector.broadcast %ge3A_183 : i32 to vector<16xi32>
          %ge3A_185 = arith.cmpi sge, %add3A_182, %ge3A_184 : vector<16xi32>
          %lt3A_186 = arith.constant 512 : i32
          %lt3A_187 = vector.broadcast %lt3A_186 : i32 to vector<16xi32>
          %lt3A_188 = arith.cmpi slt, %add3A_182, %lt3A_187 : vector<16xi32>
          %and3A_189 = arith.andi %ge3A_185, %lt3A_188 : vector<16xi1>
          %jit3A_190 = arith.constant 0 : i32
          %jit3A_191 = arith.constant 511 : i32
          %max3A_192 = vector.broadcast %jit3A_190 : i32 to vector<16xi32>
          %max3A_193 = arith.maxsi %max3A_192, %add3A_182 : vector<16xi32>
          %min3A_194 = vector.broadcast %jit3A_191 : i32 to vector<16xi32>
          %min3A_195 = arith.minsi %min3A_194, %max3A_193 : vector<16xi32>
          %mul3A_196 = arith.constant 4 : i32
          %mul3A_197 = vector.broadcast %mul3A_196 : i32 to vector<16xi32>
          %mul3A_198 = arith.muli %min3A_195, %mul3A_197 : vector<16xi32>
          %add3A_199 = vector.broadcast %mul3A_119 : i32 to vector<16xi32>
          %add3A_200 = arith.addi %add3A_199, %mul3A_198 : vector<16xi32>
          %gather3A_201 = tpu.vector_load_idx %arg7[%add3A_200] : memref<12288xf32, #tpu.memory_space<vmem>>[vector<16xi32>], vector<16xf32>,
          %add3A_202 = arith.constant 1 : i32
          %add3A_203 = vector.broadcast %add3A_202 : i32 to vector<16xi32>
          %add3A_204 = arith.addi %add3A_200, %add3A_203 : vector<16xi32>
          %gather3A_205 = tpu.vector_load_idx %arg7[%add3A_204] : memref<12288xf32, #tpu.memory_space<vmem>>[vector<16xi32>], vector<16xf32>,
          %add3A_206 = arith.constant 2 : i32
          %add3A_207 = vector.broadcast %add3A_206 : i32 to vector<16xi32>
          %add3A_208 = arith.addi %add3A_200, %add3A_207 : vector<16xi32>
          %gather3A_209 = tpu.vector_load_idx %arg7[%add3A_208] : memref<12288xf32, #tpu.memory_space<vmem>>[vector<16xi32>], vector<16xf32>,
          %sub3A_210 = arith.subf %gather3A_201, %gather3A : vector<16xf32>
          %sub3A_211 = arith.subf %gather3A_201, %gather3A : vector<16xf32>
          %mul3A_212 = arith.mulf %sub3A_210, %sub3A_211 : vector<16xf32>
          %sub3A_213 = arith.subf %gather3A_205, %gather3A_95 : vector<16xf32>
          %sub3A_214 = arith.subf %gather3A_205, %gather3A_95 : vector<16xf32>
          %mul3A_215 = arith.mulf %sub3A_213, %sub3A_214 : vector<16xf32>
          %add3A_216 = arith.addf %mul3A_212, %mul3A_215 : vector<16xf32>
          %sub3A_217 = arith.subf %gather3A_209, %gather3A_99 : vector<16xf32>
          %sub3A_218 = arith.subf %gather3A_209, %gather3A_99 : vector<16xf32>
          %mul3A_219 = arith.mulf %sub3A_217, %sub3A_218 : vector<16xf32>
          %add3A_220 = arith.addf %add3A_216, %mul3A_219 : vector<16xf32>
          %lt3A_221 = arith.constant 6.250000e+00 : f32
          %lt3A_222 = vector.broadcast %lt3A_221 : f32 to vector<16xf32>
          %lt3A_223 = arith.cmpf olt, %add3A_220, %lt3A_222 : vector<16xf32>
          %and3A_224 = arith.andi %and3A_189, %lt3A_223 : vector<16xi1>
          %and3A_225 = vector.broadcast %and3A_112 : i1 to vector<16xi1>
          %and3A_226 = arith.andi %and3A_224, %and3A_225 : vector<16xi1>
          %lt3A_227 = arith.constant 16 : i32
          %lt3A_228 = vector.broadcast %lt3A_227 : i32 to vector<16xi32>
          %lt3A_229 = arith.cmpi slt, %add3A_179, %lt3A_228 : vector<16xi32>
          %and3A_230 = arith.andi %and3A_226, %lt3A_229 : vector<16xi1>
          %add3A_231 = arith.addi %mul3A_81, %add3A_179 : vector<16xi32>
          %add3A_232 = vector.broadcast %add3A_124 : i32 to vector<16xi32>
          %add3A_233 = arith.addi %add3A_232, %min3A_195 : vector<16xi32>
          tpu.vector_store_idx %arg8[%add3A_231], %add3A_233 masked %and3A_230 : memref<4096xi32, #tpu.memory_space<vmem>>[vector<16xi32>], vector<16xi32>, vector<16xi1>
          %convert_element_type3A_234 = arith.extui %and3A_226 : vector<16xi1> to vector<16xi32>
          %add3A_235 = arith.addi %add3A_179, %convert_element_type3A_234 : vector<16xi32>
          %add3A_236 = arith.constant -4 : i32
          %add3A_237 = vector.broadcast %add3A_236 : i32 to vector<16xi32>
          %add3A_238 = arith.addi %mul3A_78, %add3A_237 : vector<16xi32>
          %ge3A_239 = arith.constant 0 : i32
          %ge3A_240 = vector.broadcast %ge3A_239 : i32 to vector<16xi32>
          %ge3A_241 = arith.cmpi sge, %add3A_238, %ge3A_240 : vector<16xi32>
          %lt3A_242 = arith.constant 512 : i32
          %lt3A_243 = vector.broadcast %lt3A_242 : i32 to vector<16xi32>
          %lt3A_244 = arith.cmpi slt, %add3A_238, %lt3A_243 : vector<16xi32>
          %and3A_245 = arith.andi %ge3A_241, %lt3A_244 : vector<16xi1>
          %jit3A_246 = arith.constant 0 : i32
          %jit3A_247 = arith.constant 511 : i32
          %max3A_248 = vector.broadcast %jit3A_246 : i32 to vector<16xi32>
          %max3A_249 = arith.maxsi %max3A_248, %add3A_238 : vector<16xi32>
          %min3A_250 = vector.broadcast %jit3A_247 : i32 to vector<16xi32>
          %min3A_251 = arith.minsi %min3A_250, %max3A_249 : vector<16xi32>
          %mul3A_252 = arith.constant 4 : i32
          %mul3A_253 = vector.broadcast %mul3A_252 : i32 to vector<16xi32>
          %mul3A_254 = arith.muli %min3A_251, %mul3A_253 : vector<16xi32>
          %add3A_255 = vector.broadcast %mul3A_119 : i32 to vector<16xi32>
          %add3A_256 = arith.addi %add3A_255, %mul3A_254 : vector<16xi32>
          %gather3A_257 = tpu.vector_load_idx %arg7[%add3A_256] : memref<12288xf32, #tpu.memory_space<vmem>>[vector<16xi32>], vector<16xf32>,
          %add3A_258 = arith.constant 1 : i32
          %add3A_259 = vector.broadcast %add3A_258 : i32 to vector<16xi32>
          %add3A_260 = arith.addi %add3A_256, %add3A_259 : vector<16xi32>
          %gather3A_261 = tpu.vector_load_idx %arg7[%add3A_260] : memref<12288xf32, #tpu.memory_space<vmem>>[vector<16xi32>], vector<16xf32>,
          %add3A_262 = arith.constant 2 : i32
          %add3A_263 = vector.broadcast %add3A_262 : i32 to vector<16xi32>
          %add3A_264 = arith.addi %add3A_256, %add3A_263 : vector<16xi32>
          %gather3A_265 = tpu.vector_load_idx %arg7[%add3A_264] : memref<12288xf32, #tpu.memory_space<vmem>>[vector<16xi32>], vector<16xf32>,
          %sub3A_266 = arith.subf %gather3A_257, %gather3A : vector<16xf32>
          %sub3A_267 = arith.subf %gather3A_257, %gather3A : vector<16xf32>
          %mul3A_268 = arith.mulf %sub3A_266, %sub3A_267 : vector<16xf32>
          %sub3A_269 = arith.subf %gather3A_261, %gather3A_95 : vector<16xf32>
          %sub3A_270 = arith.subf %gather3A_261, %gather3A_95 : vector<16xf32>
          %mul3A_271 = arith.mulf %sub3A_269, %sub3A_270 : vector<16xf32>
          %add3A_272 = arith.addf %mul3A_268, %mul3A_271 : vector<16xf32>
          %sub3A_273 = arith.subf %gather3A_265, %gather3A_99 : vector<16xf32>
          %sub3A_274 = arith.subf %gather3A_265, %gather3A_99 : vector<16xf32>
          %mul3A_275 = arith.mulf %sub3A_273, %sub3A_274 : vector<16xf32>
          %add3A_276 = arith.addf %add3A_272, %mul3A_275 : vector<16xf32>
          %lt3A_277 = arith.constant 6.250000e+00 : f32
          %lt3A_278 = vector.broadcast %lt3A_277 : f32 to vector<16xf32>
          %lt3A_279 = arith.cmpf olt, %add3A_276, %lt3A_278 : vector<16xf32>
          %and3A_280 = arith.andi %and3A_245, %lt3A_279 : vector<16xi1>
          %and3A_281 = vector.broadcast %and3A_112 : i1 to vector<16xi1>
          %and3A_282 = arith.andi %and3A_280, %and3A_281 : vector<16xi1>
          %lt3A_283 = arith.constant 16 : i32
          %lt3A_284 = vector.broadcast %lt3A_283 : i32 to vector<16xi32>
          %lt3A_285 = arith.cmpi slt, %add3A_235, %lt3A_284 : vector<16xi32>
          %and3A_286 = arith.andi %and3A_282, %lt3A_285 : vector<16xi1>
          %add3A_287 = arith.addi %mul3A_81, %add3A_235 : vector<16xi32>
          %add3A_288 = vector.broadcast %add3A_124 : i32 to vector<16xi32>
          %add3A_289 = arith.addi %add3A_288, %min3A_251 : vector<16xi32>
          tpu.vector_store_idx %arg8[%add3A_287], %add3A_289 masked %and3A_286 : memref<4096xi32, #tpu.memory_space<vmem>>[vector<16xi32>], vector<16xi32>, vector<16xi1>
          %convert_element_type3A_290 = arith.extui %and3A_282 : vector<16xi1> to vector<16xi32>
          %add3A_291 = arith.addi %add3A_235, %convert_element_type3A_290 : vector<16xi32>
          %add3A_292 = arith.constant -3 : i32
          %add3A_293 = vector.broadcast %add3A_292 : i32 to vector<16xi32>
          %add3A_294 = arith.addi %mul3A_78, %add3A_293 : vector<16xi32>
          %ge3A_295 = arith.constant 0 : i32
          %ge3A_296 = vector.broadcast %ge3A_295 : i32 to vector<16xi32>
          %ge3A_297 = arith.cmpi sge, %add3A_294, %ge3A_296 : vector<16xi32>
          %lt3A_298 = arith.constant 512 : i32
          %lt3A_299 = vector.broadcast %lt3A_298 : i32 to vector<16xi32>
          %lt3A_300 = arith.cmpi slt, %add3A_294, %lt3A_299 : vector<16xi32>
          %and3A_301 = arith.andi %ge3A_297, %lt3A_300 : vector<16xi1>
          %jit3A_302 = arith.constant 0 : i32
          %jit3A_303 = arith.constant 511 : i32
          %max3A_304 = vector.broadcast %jit3A_302 : i32 to vector<16xi32>
          %max3A_305 = arith.maxsi %max3A_304, %add3A_294 : vector<16xi32>
          %min3A_306 = vector.broadcast %jit3A_303 : i32 to vector<16xi32>
          %min3A_307 = arith.minsi %min3A_306, %max3A_305 : vector<16xi32>
          %mul3A_308 = arith.constant 4 : i32
          %mul3A_309 = vector.broadcast %mul3A_308 : i32 to vector<16xi32>
          %mul3A_310 = arith.muli %min3A_307, %mul3A_309 : vector<16xi32>
          %add3A_311 = vector.broadcast %mul3A_119 : i32 to vector<16xi32>
          %add3A_312 = arith.addi %add3A_311, %mul3A_310 : vector<16xi32>
          %gather3A_313 = tpu.vector_load_idx %arg7[%add3A_312] : memref<12288xf32, #tpu.memory_space<vmem>>[vector<16xi32>], vector<16xf32>,
          %add3A_314 = arith.constant 1 : i32
          %add3A_315 = vector.broadcast %add3A_314 : i32 to vector<16xi32>
          %add3A_316 = arith.addi %add3A_312, %add3A_315 : vector<16xi32>
          %gather3A_317 = tpu.vector_load_idx %arg7[%add3A_316] : memref<12288xf32, #tpu.memory_space<vmem>>[vector<16xi32>], vector<16xf32>,
          %add3A_318 = arith.constant 2 : i32
          %add3A_319 = vector.broadcast %add3A_318 : i32 to vector<16xi32>
          %add3A_320 = arith.addi %add3A_312, %add3A_319 : vector<16xi32>
          %gather3A_321 = tpu.vector_load_idx %arg7[%add3A_320] : memref<12288xf32, #tpu.memory_space<vmem>>[vector<16xi32>], vector<16xf32>,
          %sub3A_322 = arith.subf %gather3A_313, %gather3A : vector<16xf32>
          %sub3A_323 = arith.subf %gather3A_313, %gather3A : vector<16xf32>
          %mul3A_324 = arith.mulf %sub3A_322, %sub3A_323 : vector<16xf32>
          %sub3A_325 = arith.subf %gather3A_317, %gather3A_95 : vector<16xf32>
          %sub3A_326 = arith.subf %gather3A_317, %gather3A_95 : vector<16xf32>
          %mul3A_327 = arith.mulf %sub3A_325, %sub3A_326 : vector<16xf32>
          %add3A_328 = arith.addf %mul3A_324, %mul3A_327 : vector<16xf32>
          %sub3A_329 = arith.subf %gather3A_321, %gather3A_99 : vector<16xf32>
          %sub3A_330 = arith.subf %gather3A_321, %gather3A_99 : vector<16xf32>
          %mul3A_331 = arith.mulf %sub3A_329, %sub3A_330 : vector<16xf32>
          %add3A_332 = arith.addf %add3A_328, %mul3A_331 : vector<16xf32>
          %lt3A_333 = arith.constant 6.250000e+00 : f32
          %lt3A_334 = vector.broadcast %lt3A_333 : f32 to vector<16xf32>
          %lt3A_335 = arith.cmpf olt, %add3A_332, %lt3A_334 : vector<16xf32>
          %and3A_336 = arith.andi %and3A_301, %lt3A_335 : vector<16xi1>
          %and3A_337 = vector.broadcast %and3A_112 : i1 to vector<16xi1>
          %and3A_338 = arith.andi %and3A_336, %and3A_337 : vector<16xi1>
          %lt3A_339 = arith.constant 16 : i32
          %lt3A_340 = vector.broadcast %lt3A_339 : i32 to vector<16xi32>
          %lt3A_341 = arith.cmpi slt, %add3A_291, %lt3A_340 : vector<16xi32>
          %and3A_342 = arith.andi %and3A_338, %lt3A_341 : vector<16xi1>
          %add3A_343 = arith.addi %mul3A_81, %add3A_291 : vector<16xi32>
          %add3A_344 = vector.broadcast %add3A_124 : i32 to vector<16xi32>
          %add3A_345 = arith.addi %add3A_344, %min3A_307 : vector<16xi32>
          tpu.vector_store_idx %arg8[%add3A_343], %add3A_345 masked %and3A_342 : memref<4096xi32, #tpu.memory_space<vmem>>[vector<16xi32>], vector<16xi32>, vector<16xi1>
          %convert_element_type3A_346 = arith.extui %and3A_338 : vector<16xi1> to vector<16xi32>
          %add3A_347 = arith.addi %add3A_291, %convert_element_type3A_346 : vector<16xi32>
          %add3A_348 = arith.constant -2 : i32
          %add3A_349 = vector.broadcast %add3A_348 : i32 to vector<16xi32>
          %add3A_350 = arith.addi %mul3A_78, %add3A_349 : vector<16xi32>
          %ge3A_351 = arith.constant 0 : i32
          %ge3A_352 = vector.broadcast %ge3A_351 : i32 to vector<16xi32>
          %ge3A_353 = arith.cmpi sge, %add3A_350, %ge3A_352 : vector<16xi32>
          %lt3A_354 = arith.constant 512 : i32
          %lt3A_355 = vector.broadcast %lt3A_354 : i32 to vector<16xi32>
          %lt3A_356 = arith.cmpi slt, %add3A_350, %lt3A_355 : vector<16xi32>
          %and3A_357 = arith.andi %ge3A_353, %lt3A_356 : vector<16xi1>
          %jit3A_358 = arith.constant 0 : i32
          %jit3A_359 = arith.constant 511 : i32
          %max3A_360 = vector.broadcast %jit3A_358 : i32 to vector<16xi32>
          %max3A_361 = arith.maxsi %max3A_360, %add3A_350 : vector<16xi32>
          %min3A_362 = vector.broadcast %jit3A_359 : i32 to vector<16xi32>
          %min3A_363 = arith.minsi %min3A_362, %max3A_361 : vector<16xi32>
          %mul3A_364 = arith.constant 4 : i32
          %mul3A_365 = vector.broadcast %mul3A_364 : i32 to vector<16xi32>
          %mul3A_366 = arith.muli %min3A_363, %mul3A_365 : vector<16xi32>
          %add3A_367 = vector.broadcast %mul3A_119 : i32 to vector<16xi32>
          %add3A_368 = arith.addi %add3A_367, %mul3A_366 : vector<16xi32>
          %gather3A_369 = tpu.vector_load_idx %arg7[%add3A_368] : memref<12288xf32, #tpu.memory_space<vmem>>[vector<16xi32>], vector<16xf32>,
          %add3A_370 = arith.constant 1 : i32
          %add3A_371 = vector.broadcast %add3A_370 : i32 to vector<16xi32>
          %add3A_372 = arith.addi %add3A_368, %add3A_371 : vector<16xi32>
          %gather3A_373 = tpu.vector_load_idx %arg7[%add3A_372] : memref<12288xf32, #tpu.memory_space<vmem>>[vector<16xi32>], vector<16xf32>,
          %add3A_374 = arith.constant 2 : i32
          %add3A_375 = vector.broadcast %add3A_374 : i32 to vector<16xi32>
          %add3A_376 = arith.addi %add3A_368, %add3A_375 : vector<16xi32>
          %gather3A_377 = tpu.vector_load_idx %arg7[%add3A_376] : memref<12288xf32, #tpu.memory_space<vmem>>[vector<16xi32>], vector<16xf32>,
          %sub3A_378 = arith.subf %gather3A_369, %gather3A : vector<16xf32>
          %sub3A_379 = arith.subf %gather3A_369, %gather3A : vector<16xf32>
          %mul3A_380 = arith.mulf %sub3A_378, %sub3A_379 : vector<16xf32>
          %sub3A_381 = arith.subf %gather3A_373, %gather3A_95 : vector<16xf32>
          %sub3A_382 = arith.subf %gather3A_373, %gather3A_95 : vector<16xf32>
          %mul3A_383 = arith.mulf %sub3A_381, %sub3A_382 : vector<16xf32>
          %add3A_384 = arith.addf %mul3A_380, %mul3A_383 : vector<16xf32>
          %sub3A_385 = arith.subf %gather3A_377, %gather3A_99 : vector<16xf32>
          %sub3A_386 = arith.subf %gather3A_377, %gather3A_99 : vector<16xf32>
          %mul3A_387 = arith.mulf %sub3A_385, %sub3A_386 : vector<16xf32>
          %add3A_388 = arith.addf %add3A_384, %mul3A_387 : vector<16xf32>
          %lt3A_389 = arith.constant 6.250000e+00 : f32
          %lt3A_390 = vector.broadcast %lt3A_389 : f32 to vector<16xf32>
          %lt3A_391 = arith.cmpf olt, %add3A_388, %lt3A_390 : vector<16xf32>
          %and3A_392 = arith.andi %and3A_357, %lt3A_391 : vector<16xi1>
          %and3A_393 = vector.broadcast %and3A_112 : i1 to vector<16xi1>
          %and3A_394 = arith.andi %and3A_392, %and3A_393 : vector<16xi1>
          %lt3A_395 = arith.constant 16 : i32
          %lt3A_396 = vector.broadcast %lt3A_395 : i32 to vector<16xi32>
          %lt3A_397 = arith.cmpi slt, %add3A_347, %lt3A_396 : vector<16xi32>
          %and3A_398 = arith.andi %and3A_394, %lt3A_397 : vector<16xi1>
          %add3A_399 = arith.addi %mul3A_81, %add3A_347 : vector<16xi32>
          %add3A_400 = vector.broadcast %add3A_124 : i32 to vector<16xi32>
          %add3A_401 = arith.addi %add3A_400, %min3A_363 : vector<16xi32>
          tpu.vector_store_idx %arg8[%add3A_399], %add3A_401 masked %and3A_398 : memref<4096xi32, #tpu.memory_space<vmem>>[vector<16xi32>], vector<16xi32>, vector<16xi1>
          %convert_element_type3A_402 = arith.extui %and3A_394 : vector<16xi1> to vector<16xi32>
          %add3A_403 = arith.addi %add3A_347, %convert_element_type3A_402 : vector<16xi32>
          %add3A_404 = arith.constant -1 : i32
          %add3A_405 = vector.broadcast %add3A_404 : i32 to vector<16xi32>
          %add3A_406 = arith.addi %mul3A_78, %add3A_405 : vector<16xi32>
          %ge3A_407 = arith.constant 0 : i32
          %ge3A_408 = vector.broadcast %ge3A_407 : i32 to vector<16xi32>
          %ge3A_409 = arith.cmpi sge, %add3A_406, %ge3A_408 : vector<16xi32>
          %lt3A_410 = arith.constant 512 : i32
          %lt3A_411 = vector.broadcast %lt3A_410 : i32 to vector<16xi32>
          %lt3A_412 = arith.cmpi slt, %add3A_406, %lt3A_411 : vector<16xi32>
          %and3A_413 = arith.andi %ge3A_409, %lt3A_412 : vector<16xi1>
          %jit3A_414 = arith.constant 0 : i32
          %jit3A_415 = arith.constant 511 : i32
          %max3A_416 = vector.broadcast %jit3A_414 : i32 to vector<16xi32>
          %max3A_417 = arith.maxsi %max3A_416, %add3A_406 : vector<16xi32>
          %min3A_418 = vector.broadcast %jit3A_415 : i32 to vector<16xi32>
          %min3A_419 = arith.minsi %min3A_418, %max3A_417 : vector<16xi32>
          %mul3A_420 = arith.constant 4 : i32
          %mul3A_421 = vector.broadcast %mul3A_420 : i32 to vector<16xi32>
          %mul3A_422 = arith.muli %min3A_419, %mul3A_421 : vector<16xi32>
          %add3A_423 = vector.broadcast %mul3A_119 : i32 to vector<16xi32>
          %add3A_424 = arith.addi %add3A_423, %mul3A_422 : vector<16xi32>
          %gather3A_425 = tpu.vector_load_idx %arg7[%add3A_424] : memref<12288xf32, #tpu.memory_space<vmem>>[vector<16xi32>], vector<16xf32>,
          %add3A_426 = arith.constant 1 : i32
          %add3A_427 = vector.broadcast %add3A_426 : i32 to vector<16xi32>
          %add3A_428 = arith.addi %add3A_424, %add3A_427 : vector<16xi32>
          %gather3A_429 = tpu.vector_load_idx %arg7[%add3A_428] : memref<12288xf32, #tpu.memory_space<vmem>>[vector<16xi32>], vector<16xf32>,
          %add3A_430 = arith.constant 2 : i32
          %add3A_431 = vector.broadcast %add3A_430 : i32 to vector<16xi32>
          %add3A_432 = arith.addi %add3A_424, %add3A_431 : vector<16xi32>
          %gather3A_433 = tpu.vector_load_idx %arg7[%add3A_432] : memref<12288xf32, #tpu.memory_space<vmem>>[vector<16xi32>], vector<16xf32>,
          %sub3A_434 = arith.subf %gather3A_425, %gather3A : vector<16xf32>
          %sub3A_435 = arith.subf %gather3A_425, %gather3A : vector<16xf32>
          %mul3A_436 = arith.mulf %sub3A_434, %sub3A_435 : vector<16xf32>
          %sub3A_437 = arith.subf %gather3A_429, %gather3A_95 : vector<16xf32>
          %sub3A_438 = arith.subf %gather3A_429, %gather3A_95 : vector<16xf32>
          %mul3A_439 = arith.mulf %sub3A_437, %sub3A_438 : vector<16xf32>
          %add3A_440 = arith.addf %mul3A_436, %mul3A_439 : vector<16xf32>
          %sub3A_441 = arith.subf %gather3A_433, %gather3A_99 : vector<16xf32>
          %sub3A_442 = arith.subf %gather3A_433, %gather3A_99 : vector<16xf32>
          %mul3A_443 = arith.mulf %sub3A_441, %sub3A_442 : vector<16xf32>
          %add3A_444 = arith.addf %add3A_440, %mul3A_443 : vector<16xf32>
          %lt3A_445 = arith.constant 6.250000e+00 : f32
          %lt3A_446 = vector.broadcast %lt3A_445 : f32 to vector<16xf32>
          %lt3A_447 = arith.cmpf olt, %add3A_444, %lt3A_446 : vector<16xf32>
          %and3A_448 = arith.andi %and3A_413, %lt3A_447 : vector<16xi1>
          %and3A_449 = vector.broadcast %and3A_112 : i1 to vector<16xi1>
          %and3A_450 = arith.andi %and3A_448, %and3A_449 : vector<16xi1>
          %lt3A_451 = arith.constant 16 : i32
          %lt3A_452 = vector.broadcast %lt3A_451 : i32 to vector<16xi32>
          %lt3A_453 = arith.cmpi slt, %add3A_403, %lt3A_452 : vector<16xi32>
          %and3A_454 = arith.andi %and3A_450, %lt3A_453 : vector<16xi1>
          %add3A_455 = arith.addi %mul3A_81, %add3A_403 : vector<16xi32>
          %add3A_456 = vector.broadcast %add3A_124 : i32 to vector<16xi32>
          %add3A_457 = arith.addi %add3A_456, %min3A_419 : vector<16xi32>
          tpu.vector_store_idx %arg8[%add3A_455], %add3A_457 masked %and3A_454 : memref<4096xi32, #tpu.memory_space<vmem>>[vector<16xi32>], vector<16xi32>, vector<16xi1>
          %convert_element_type3A_458 = arith.extui %and3A_450 : vector<16xi1> to vector<16xi32>
          %add3A_459 = arith.addi %add3A_403, %convert_element_type3A_458 : vector<16xi32>
          %add3A_460 = arith.constant 0 : i32
          %add3A_461 = vector.broadcast %add3A_460 : i32 to vector<16xi32>
          %add3A_462 = arith.addi %mul3A_78, %add3A_461 : vector<16xi32>
          %ge3A_463 = arith.constant 0 : i32
          %ge3A_464 = vector.broadcast %ge3A_463 : i32 to vector<16xi32>
          %ge3A_465 = arith.cmpi sge, %add3A_462, %ge3A_464 : vector<16xi32>
          %lt3A_466 = arith.constant 512 : i32
          %lt3A_467 = vector.broadcast %lt3A_466 : i32 to vector<16xi32>
          %lt3A_468 = arith.cmpi slt, %add3A_462, %lt3A_467 : vector<16xi32>
          %and3A_469 = arith.andi %ge3A_465, %lt3A_468 : vector<16xi1>
          %jit3A_470 = arith.constant 0 : i32
          %jit3A_471 = arith.constant 511 : i32
          %max3A_472 = vector.broadcast %jit3A_470 : i32 to vector<16xi32>
          %max3A_473 = arith.maxsi %max3A_472, %add3A_462 : vector<16xi32>
          %min3A_474 = vector.broadcast %jit3A_471 : i32 to vector<16xi32>
          %min3A_475 = arith.minsi %min3A_474, %max3A_473 : vector<16xi32>
          %mul3A_476 = arith.constant 4 : i32
          %mul3A_477 = vector.broadcast %mul3A_476 : i32 to vector<16xi32>
          %mul3A_478 = arith.muli %min3A_475, %mul3A_477 : vector<16xi32>
          %add3A_479 = vector.broadcast %mul3A_119 : i32 to vector<16xi32>
          %add3A_480 = arith.addi %add3A_479, %mul3A_478 : vector<16xi32>
          %gather3A_481 = tpu.vector_load_idx %arg7[%add3A_480] : memref<12288xf32, #tpu.memory_space<vmem>>[vector<16xi32>], vector<16xf32>,
          %add3A_482 = arith.constant 1 : i32
          %add3A_483 = vector.broadcast %add3A_482 : i32 to vector<16xi32>
          %add3A_484 = arith.addi %add3A_480, %add3A_483 : vector<16xi32>
          %gather3A_485 = tpu.vector_load_idx %arg7[%add3A_484] : memref<12288xf32, #tpu.memory_space<vmem>>[vector<16xi32>], vector<16xf32>,
          %add3A_486 = arith.constant 2 : i32
          %add3A_487 = vector.broadcast %add3A_486 : i32 to vector<16xi32>
          %add3A_488 = arith.addi %add3A_480, %add3A_487 : vector<16xi32>
          %gather3A_489 = tpu.vector_load_idx %arg7[%add3A_488] : memref<12288xf32, #tpu.memory_space<vmem>>[vector<16xi32>], vector<16xf32>,
          %sub3A_490 = arith.subf %gather3A_481, %gather3A : vector<16xf32>
          %sub3A_491 = arith.subf %gather3A_481, %gather3A : vector<16xf32>
          %mul3A_492 = arith.mulf %sub3A_490, %sub3A_491 : vector<16xf32>
          %sub3A_493 = arith.subf %gather3A_485, %gather3A_95 : vector<16xf32>
          %sub3A_494 = arith.subf %gather3A_485, %gather3A_95 : vector<16xf32>
          %mul3A_495 = arith.mulf %sub3A_493, %sub3A_494 : vector<16xf32>
          %add3A_496 = arith.addf %mul3A_492, %mul3A_495 : vector<16xf32>
          %sub3A_497 = arith.subf %gather3A_489, %gather3A_99 : vector<16xf32>
          %sub3A_498 = arith.subf %gather3A_489, %gather3A_99 : vector<16xf32>
          %mul3A_499 = arith.mulf %sub3A_497, %sub3A_498 : vector<16xf32>
          %add3A_500 = arith.addf %add3A_496, %mul3A_499 : vector<16xf32>
          %lt3A_501 = arith.constant 6.250000e+00 : f32
          %lt3A_502 = vector.broadcast %lt3A_501 : f32 to vector<16xf32>
          %lt3A_503 = arith.cmpf olt, %add3A_500, %lt3A_502 : vector<16xf32>
          %and3A_504 = arith.andi %and3A_469, %lt3A_503 : vector<16xi1>
          %and3A_505 = vector.broadcast %and3A_112 : i1 to vector<16xi1>
          %and3A_506 = arith.andi %and3A_504, %and3A_505 : vector<16xi1>
          %lt3A_507 = arith.constant 16 : i32
          %lt3A_508 = vector.broadcast %lt3A_507 : i32 to vector<16xi32>
          %lt3A_509 = arith.cmpi slt, %add3A_459, %lt3A_508 : vector<16xi32>
          %and3A_510 = arith.andi %and3A_506, %lt3A_509 : vector<16xi1>
          %add3A_511 = arith.addi %mul3A_81, %add3A_459 : vector<16xi32>
          %add3A_512 = vector.broadcast %add3A_124 : i32 to vector<16xi32>
          %add3A_513 = arith.addi %add3A_512, %min3A_475 : vector<16xi32>
          tpu.vector_store_idx %arg8[%add3A_511], %add3A_513 masked %and3A_510 : memref<4096xi32, #tpu.memory_space<vmem>>[vector<16xi32>], vector<16xi32>, vector<16xi1>
          %convert_element_type3A_514 = arith.extui %and3A_506 : vector<16xi1> to vector<16xi32>
          %add3A_515 = arith.addi %add3A_459, %convert_element_type3A_514 : vector<16xi32>
          %add3A_516 = arith.constant 1 : i32
          %add3A_517 = vector.broadcast %add3A_516 : i32 to vector<16xi32>
          %add3A_518 = arith.addi %mul3A_78, %add3A_517 : vector<16xi32>
          %ge3A_519 = arith.constant 0 : i32
          %ge3A_520 = vector.broadcast %ge3A_519 : i32 to vector<16xi32>
          %ge3A_521 = arith.cmpi sge, %add3A_518, %ge3A_520 : vector<16xi32>
          %lt3A_522 = arith.constant 512 : i32
          %lt3A_523 = vector.broadcast %lt3A_522 : i32 to vector<16xi32>
          %lt3A_524 = arith.cmpi slt, %add3A_518, %lt3A_523 : vector<16xi32>
          %and3A_525 = arith.andi %ge3A_521, %lt3A_524 : vector<16xi1>
          %jit3A_526 = arith.constant 0 : i32
          %jit3A_527 = arith.constant 511 : i32
          %max3A_528 = vector.broadcast %jit3A_526 : i32 to vector<16xi32>
          %max3A_529 = arith.maxsi %max3A_528, %add3A_518 : vector<16xi32>
          %min3A_530 = vector.broadcast %jit3A_527 : i32 to vector<16xi32>
          %min3A_531 = arith.minsi %min3A_530, %max3A_529 : vector<16xi32>
          %mul3A_532 = arith.constant 4 : i32
          %mul3A_533 = vector.broadcast %mul3A_532 : i32 to vector<16xi32>
          %mul3A_534 = arith.muli %min3A_531, %mul3A_533 : vector<16xi32>
          %add3A_535 = vector.broadcast %mul3A_119 : i32 to vector<16xi32>
          %add3A_536 = arith.addi %add3A_535, %mul3A_534 : vector<16xi32>
          %gather3A_537 = tpu.vector_load_idx %arg7[%add3A_536] : memref<12288xf32, #tpu.memory_space<vmem>>[vector<16xi32>], vector<16xf32>,
          %add3A_538 = arith.constant 1 : i32
          %add3A_539 = vector.broadcast %add3A_538 : i32 to vector<16xi32>
          %add3A_540 = arith.addi %add3A_536, %add3A_539 : vector<16xi32>
          %gather3A_541 = tpu.vector_load_idx %arg7[%add3A_540] : memref<12288xf32, #tpu.memory_space<vmem>>[vector<16xi32>], vector<16xf32>,
          %add3A_542 = arith.constant 2 : i32
          %add3A_543 = vector.broadcast %add3A_542 : i32 to vector<16xi32>
          %add3A_544 = arith.addi %add3A_536, %add3A_543 : vector<16xi32>
          %gather3A_545 = tpu.vector_load_idx %arg7[%add3A_544] : memref<12288xf32, #tpu.memory_space<vmem>>[vector<16xi32>], vector<16xf32>,
          %sub3A_546 = arith.subf %gather3A_537, %gather3A : vector<16xf32>
          %sub3A_547 = arith.subf %gather3A_537, %gather3A : vector<16xf32>
          %mul3A_548 = arith.mulf %sub3A_546, %sub3A_547 : vector<16xf32>
          %sub3A_549 = arith.subf %gather3A_541, %gather3A_95 : vector<16xf32>
          %sub3A_550 = arith.subf %gather3A_541, %gather3A_95 : vector<16xf32>
          %mul3A_551 = arith.mulf %sub3A_549, %sub3A_550 : vector<16xf32>
          %add3A_552 = arith.addf %mul3A_548, %mul3A_551 : vector<16xf32>
          %sub3A_553 = arith.subf %gather3A_545, %gather3A_99 : vector<16xf32>
          %sub3A_554 = arith.subf %gather3A_545, %gather3A_99 : vector<16xf32>
          %mul3A_555 = arith.mulf %sub3A_553, %sub3A_554 : vector<16xf32>
          %add3A_556 = arith.addf %add3A_552, %mul3A_555 : vector<16xf32>
          %lt3A_557 = arith.constant 6.250000e+00 : f32
          %lt3A_558 = vector.broadcast %lt3A_557 : f32 to vector<16xf32>
          %lt3A_559 = arith.cmpf olt, %add3A_556, %lt3A_558 : vector<16xf32>
          %and3A_560 = arith.andi %and3A_525, %lt3A_559 : vector<16xi1>
          %and3A_561 = vector.broadcast %and3A_112 : i1 to vector<16xi1>
          %and3A_562 = arith.andi %and3A_560, %and3A_561 : vector<16xi1>
          %lt3A_563 = arith.constant 16 : i32
          %lt3A_564 = vector.broadcast %lt3A_563 : i32 to vector<16xi32>
          %lt3A_565 = arith.cmpi slt, %add3A_515, %lt3A_564 : vector<16xi32>
          %and3A_566 = arith.andi %and3A_562, %lt3A_565 : vector<16xi1>
          %add3A_567 = arith.addi %mul3A_81, %add3A_515 : vector<16xi32>
          %add3A_568 = vector.broadcast %add3A_124 : i32 to vector<16xi32>
          %add3A_569 = arith.addi %add3A_568, %min3A_531 : vector<16xi32>
          tpu.vector_store_idx %arg8[%add3A_567], %add3A_569 masked %and3A_566 : memref<4096xi32, #tpu.memory_space<vmem>>[vector<16xi32>], vector<16xi32>, vector<16xi1>
          %convert_element_type3A_570 = arith.extui %and3A_562 : vector<16xi1> to vector<16xi32>
          %add3A_571 = arith.addi %add3A_515, %convert_element_type3A_570 : vector<16xi32>
          %add3A_572 = arith.constant 2 : i32
          %add3A_573 = vector.broadcast %add3A_572 : i32 to vector<16xi32>
          %add3A_574 = arith.addi %mul3A_78, %add3A_573 : vector<16xi32>
          %ge3A_575 = arith.constant 0 : i32
          %ge3A_576 = vector.broadcast %ge3A_575 : i32 to vector<16xi32>
          %ge3A_577 = arith.cmpi sge, %add3A_574, %ge3A_576 : vector<16xi32>
          %lt3A_578 = arith.constant 512 : i32
          %lt3A_579 = vector.broadcast %lt3A_578 : i32 to vector<16xi32>
          %lt3A_580 = arith.cmpi slt, %add3A_574, %lt3A_579 : vector<16xi32>
          %and3A_581 = arith.andi %ge3A_577, %lt3A_580 : vector<16xi1>
          %jit3A_582 = arith.constant 0 : i32
          %jit3A_583 = arith.constant 511 : i32
          %max3A_584 = vector.broadcast %jit3A_582 : i32 to vector<16xi32>
          %max3A_585 = arith.maxsi %max3A_584, %add3A_574 : vector<16xi32>
          %min3A_586 = vector.broadcast %jit3A_583 : i32 to vector<16xi32>
          %min3A_587 = arith.minsi %min3A_586, %max3A_585 : vector<16xi32>
          %mul3A_588 = arith.constant 4 : i32
          %mul3A_589 = vector.broadcast %mul3A_588 : i32 to vector<16xi32>
          %mul3A_590 = arith.muli %min3A_587, %mul3A_589 : vector<16xi32>
          %add3A_591 = vector.broadcast %mul3A_119 : i32 to vector<16xi32>
          %add3A_592 = arith.addi %add3A_591, %mul3A_590 : vector<16xi32>
          %gather3A_593 = tpu.vector_load_idx %arg7[%add3A_592] : memref<12288xf32, #tpu.memory_space<vmem>>[vector<16xi32>], vector<16xf32>,
          %add3A_594 = arith.constant 1 : i32
          %add3A_595 = vector.broadcast %add3A_594 : i32 to vector<16xi32>
          %add3A_596 = arith.addi %add3A_592, %add3A_595 : vector<16xi32>
          %gather3A_597 = tpu.vector_load_idx %arg7[%add3A_596] : memref<12288xf32, #tpu.memory_space<vmem>>[vector<16xi32>], vector<16xf32>,
          %add3A_598 = arith.constant 2 : i32
          %add3A_599 = vector.broadcast %add3A_598 : i32 to vector<16xi32>
          %add3A_600 = arith.addi %add3A_592, %add3A_599 : vector<16xi32>
          %gather3A_601 = tpu.vector_load_idx %arg7[%add3A_600] : memref<12288xf32, #tpu.memory_space<vmem>>[vector<16xi32>], vector<16xf32>,
          %sub3A_602 = arith.subf %gather3A_593, %gather3A : vector<16xf32>
          %sub3A_603 = arith.subf %gather3A_593, %gather3A : vector<16xf32>
          %mul3A_604 = arith.mulf %sub3A_602, %sub3A_603 : vector<16xf32>
          %sub3A_605 = arith.subf %gather3A_597, %gather3A_95 : vector<16xf32>
          %sub3A_606 = arith.subf %gather3A_597, %gather3A_95 : vector<16xf32>
          %mul3A_607 = arith.mulf %sub3A_605, %sub3A_606 : vector<16xf32>
          %add3A_608 = arith.addf %mul3A_604, %mul3A_607 : vector<16xf32>
          %sub3A_609 = arith.subf %gather3A_601, %gather3A_99 : vector<16xf32>
          %sub3A_610 = arith.subf %gather3A_601, %gather3A_99 : vector<16xf32>
          %mul3A_611 = arith.mulf %sub3A_609, %sub3A_610 : vector<16xf32>
          %add3A_612 = arith.addf %add3A_608, %mul3A_611 : vector<16xf32>
          %lt3A_613 = arith.constant 6.250000e+00 : f32
          %lt3A_614 = vector.broadcast %lt3A_613 : f32 to vector<16xf32>
          %lt3A_615 = arith.cmpf olt, %add3A_612, %lt3A_614 : vector<16xf32>
          %and3A_616 = arith.andi %and3A_581, %lt3A_615 : vector<16xi1>
          %and3A_617 = vector.broadcast %and3A_112 : i1 to vector<16xi1>
          %and3A_618 = arith.andi %and3A_616, %and3A_617 : vector<16xi1>
          %lt3A_619 = arith.constant 16 : i32
          %lt3A_620 = vector.broadcast %lt3A_619 : i32 to vector<16xi32>
          %lt3A_621 = arith.cmpi slt, %add3A_571, %lt3A_620 : vector<16xi32>
          %and3A_622 = arith.andi %and3A_618, %lt3A_621 : vector<16xi1>
          %add3A_623 = arith.addi %mul3A_81, %add3A_571 : vector<16xi32>
          %add3A_624 = vector.broadcast %add3A_124 : i32 to vector<16xi32>
          %add3A_625 = arith.addi %add3A_624, %min3A_587 : vector<16xi32>
          tpu.vector_store_idx %arg8[%add3A_623], %add3A_625 masked %and3A_622 : memref<4096xi32, #tpu.memory_space<vmem>>[vector<16xi32>], vector<16xi32>, vector<16xi1>
          %convert_element_type3A_626 = arith.extui %and3A_618 : vector<16xi1> to vector<16xi32>
          %add3A_627 = arith.addi %add3A_571, %convert_element_type3A_626 : vector<16xi32>
          %add3A_628 = arith.constant 3 : i32
          %add3A_629 = vector.broadcast %add3A_628 : i32 to vector<16xi32>
          %add3A_630 = arith.addi %mul3A_78, %add3A_629 : vector<16xi32>
          %ge3A_631 = arith.constant 0 : i32
          %ge3A_632 = vector.broadcast %ge3A_631 : i32 to vector<16xi32>
          %ge3A_633 = arith.cmpi sge, %add3A_630, %ge3A_632 : vector<16xi32>
          %lt3A_634 = arith.constant 512 : i32
          %lt3A_635 = vector.broadcast %lt3A_634 : i32 to vector<16xi32>
          %lt3A_636 = arith.cmpi slt, %add3A_630, %lt3A_635 : vector<16xi32>
          %and3A_637 = arith.andi %ge3A_633, %lt3A_636 : vector<16xi1>
          %jit3A_638 = arith.constant 0 : i32
          %jit3A_639 = arith.constant 511 : i32
          %max3A_640 = vector.broadcast %jit3A_638 : i32 to vector<16xi32>
          %max3A_641 = arith.maxsi %max3A_640, %add3A_630 : vector<16xi32>
          %min3A_642 = vector.broadcast %jit3A_639 : i32 to vector<16xi32>
          %min3A_643 = arith.minsi %min3A_642, %max3A_641 : vector<16xi32>
          %mul3A_644 = arith.constant 4 : i32
          %mul3A_645 = vector.broadcast %mul3A_644 : i32 to vector<16xi32>
          %mul3A_646 = arith.muli %min3A_643, %mul3A_645 : vector<16xi32>
          %add3A_647 = vector.broadcast %mul3A_119 : i32 to vector<16xi32>
          %add3A_648 = arith.addi %add3A_647, %mul3A_646 : vector<16xi32>
          %gather3A_649 = tpu.vector_load_idx %arg7[%add3A_648] : memref<12288xf32, #tpu.memory_space<vmem>>[vector<16xi32>], vector<16xf32>,
          %add3A_650 = arith.constant 1 : i32
          %add3A_651 = vector.broadcast %add3A_650 : i32 to vector<16xi32>
          %add3A_652 = arith.addi %add3A_648, %add3A_651 : vector<16xi32>
          %gather3A_653 = tpu.vector_load_idx %arg7[%add3A_652] : memref<12288xf32, #tpu.memory_space<vmem>>[vector<16xi32>], vector<16xf32>,
          %add3A_654 = arith.constant 2 : i32
          %add3A_655 = vector.broadcast %add3A_654 : i32 to vector<16xi32>
          %add3A_656 = arith.addi %add3A_648, %add3A_655 : vector<16xi32>
          %gather3A_657 = tpu.vector_load_idx %arg7[%add3A_656] : memref<12288xf32, #tpu.memory_space<vmem>>[vector<16xi32>], vector<16xf32>,
          %sub3A_658 = arith.subf %gather3A_649, %gather3A : vector<16xf32>
          %sub3A_659 = arith.subf %gather3A_649, %gather3A : vector<16xf32>
          %mul3A_660 = arith.mulf %sub3A_658, %sub3A_659 : vector<16xf32>
          %sub3A_661 = arith.subf %gather3A_653, %gather3A_95 : vector<16xf32>
          %sub3A_662 = arith.subf %gather3A_653, %gather3A_95 : vector<16xf32>
          %mul3A_663 = arith.mulf %sub3A_661, %sub3A_662 : vector<16xf32>
          %add3A_664 = arith.addf %mul3A_660, %mul3A_663 : vector<16xf32>
          %sub3A_665 = arith.subf %gather3A_657, %gather3A_99 : vector<16xf32>
          %sub3A_666 = arith.subf %gather3A_657, %gather3A_99 : vector<16xf32>
          %mul3A_667 = arith.mulf %sub3A_665, %sub3A_666 : vector<16xf32>
          %add3A_668 = arith.addf %add3A_664, %mul3A_667 : vector<16xf32>
          %lt3A_669 = arith.constant 6.250000e+00 : f32
          %lt3A_670 = vector.broadcast %lt3A_669 : f32 to vector<16xf32>
          %lt3A_671 = arith.cmpf olt, %add3A_668, %lt3A_670 : vector<16xf32>
          %and3A_672 = arith.andi %and3A_637, %lt3A_671 : vector<16xi1>
          %and3A_673 = vector.broadcast %and3A_112 : i1 to vector<16xi1>
          %and3A_674 = arith.andi %and3A_672, %and3A_673 : vector<16xi1>
          %lt3A_675 = arith.constant 16 : i32
          %lt3A_676 = vector.broadcast %lt3A_675 : i32 to vector<16xi32>
          %lt3A_677 = arith.cmpi slt, %add3A_627, %lt3A_676 : vector<16xi32>
          %and3A_678 = arith.andi %and3A_674, %lt3A_677 : vector<16xi1>
          %add3A_679 = arith.addi %mul3A_81, %add3A_627 : vector<16xi32>
          %add3A_680 = vector.broadcast %add3A_124 : i32 to vector<16xi32>
          %add3A_681 = arith.addi %add3A_680, %min3A_643 : vector<16xi32>
          tpu.vector_store_idx %arg8[%add3A_679], %add3A_681 masked %and3A_678 : memref<4096xi32, #tpu.memory_space<vmem>>[vector<16xi32>], vector<16xi32>, vector<16xi1>
          %convert_element_type3A_682 = arith.extui %and3A_674 : vector<16xi1> to vector<16xi32>
          %add3A_683 = arith.addi %add3A_627, %convert_element_type3A_682 : vector<16xi32>
          %add3A_684 = arith.constant 4 : i32
          %add3A_685 = vector.broadcast %add3A_684 : i32 to vector<16xi32>
          %add3A_686 = arith.addi %mul3A_78, %add3A_685 : vector<16xi32>
          %ge3A_687 = arith.constant 0 : i32
          %ge3A_688 = vector.broadcast %ge3A_687 : i32 to vector<16xi32>
          %ge3A_689 = arith.cmpi sge, %add3A_686, %ge3A_688 : vector<16xi32>
          %lt3A_690 = arith.constant 512 : i32
          %lt3A_691 = vector.broadcast %lt3A_690 : i32 to vector<16xi32>
          %lt3A_692 = arith.cmpi slt, %add3A_686, %lt3A_691 : vector<16xi32>
          %and3A_693 = arith.andi %ge3A_689, %lt3A_692 : vector<16xi1>
          %jit3A_694 = arith.constant 0 : i32
          %jit3A_695 = arith.constant 511 : i32
          %max3A_696 = vector.broadcast %jit3A_694 : i32 to vector<16xi32>
          %max3A_697 = arith.maxsi %max3A_696, %add3A_686 : vector<16xi32>
          %min3A_698 = vector.broadcast %jit3A_695 : i32 to vector<16xi32>
          %min3A_699 = arith.minsi %min3A_698, %max3A_697 : vector<16xi32>
          %mul3A_700 = arith.constant 4 : i32
          %mul3A_701 = vector.broadcast %mul3A_700 : i32 to vector<16xi32>
          %mul3A_702 = arith.muli %min3A_699, %mul3A_701 : vector<16xi32>
          %add3A_703 = vector.broadcast %mul3A_119 : i32 to vector<16xi32>
          %add3A_704 = arith.addi %add3A_703, %mul3A_702 : vector<16xi32>
          %gather3A_705 = tpu.vector_load_idx %arg7[%add3A_704] : memref<12288xf32, #tpu.memory_space<vmem>>[vector<16xi32>], vector<16xf32>,
          %add3A_706 = arith.constant 1 : i32
          %add3A_707 = vector.broadcast %add3A_706 : i32 to vector<16xi32>
          %add3A_708 = arith.addi %add3A_704, %add3A_707 : vector<16xi32>
          %gather3A_709 = tpu.vector_load_idx %arg7[%add3A_708] : memref<12288xf32, #tpu.memory_space<vmem>>[vector<16xi32>], vector<16xf32>,
          %add3A_710 = arith.constant 2 : i32
          %add3A_711 = vector.broadcast %add3A_710 : i32 to vector<16xi32>
          %add3A_712 = arith.addi %add3A_704, %add3A_711 : vector<16xi32>
          %gather3A_713 = tpu.vector_load_idx %arg7[%add3A_712] : memref<12288xf32, #tpu.memory_space<vmem>>[vector<16xi32>], vector<16xf32>,
          %sub3A_714 = arith.subf %gather3A_705, %gather3A : vector<16xf32>
          %sub3A_715 = arith.subf %gather3A_705, %gather3A : vector<16xf32>
          %mul3A_716 = arith.mulf %sub3A_714, %sub3A_715 : vector<16xf32>
          %sub3A_717 = arith.subf %gather3A_709, %gather3A_95 : vector<16xf32>
          %sub3A_718 = arith.subf %gather3A_709, %gather3A_95 : vector<16xf32>
          %mul3A_719 = arith.mulf %sub3A_717, %sub3A_718 : vector<16xf32>
          %add3A_720 = arith.addf %mul3A_716, %mul3A_719 : vector<16xf32>
          %sub3A_721 = arith.subf %gather3A_713, %gather3A_99 : vector<16xf32>
          %sub3A_722 = arith.subf %gather3A_713, %gather3A_99 : vector<16xf32>
          %mul3A_723 = arith.mulf %sub3A_721, %sub3A_722 : vector<16xf32>
          %add3A_724 = arith.addf %add3A_720, %mul3A_723 : vector<16xf32>
          %lt3A_725 = arith.constant 6.250000e+00 : f32
          %lt3A_726 = vector.broadcast %lt3A_725 : f32 to vector<16xf32>
          %lt3A_727 = arith.cmpf olt, %add3A_724, %lt3A_726 : vector<16xf32>
          %and3A_728 = arith.andi %and3A_693, %lt3A_727 : vector<16xi1>
          %and3A_729 = vector.broadcast %and3A_112 : i1 to vector<16xi1>
          %and3A_730 = arith.andi %and3A_728, %and3A_729 : vector<16xi1>
          %lt3A_731 = arith.constant 16 : i32
          %lt3A_732 = vector.broadcast %lt3A_731 : i32 to vector<16xi32>
          %lt3A_733 = arith.cmpi slt, %add3A_683, %lt3A_732 : vector<16xi32>
          %and3A_734 = arith.andi %and3A_730, %lt3A_733 : vector<16xi1>
          %add3A_735 = arith.addi %mul3A_81, %add3A_683 : vector<16xi32>
          %add3A_736 = vector.broadcast %add3A_124 : i32 to vector<16xi32>
          %add3A_737 = arith.addi %add3A_736, %min3A_699 : vector<16xi32>
          tpu.vector_store_idx %arg8[%add3A_735], %add3A_737 masked %and3A_734 : memref<4096xi32, #tpu.memory_space<vmem>>[vector<16xi32>], vector<16xi32>, vector<16xi1>
          %convert_element_type3A_738 = arith.extui %and3A_730 : vector<16xi1> to vector<16xi32>
          %add3A_739 = arith.addi %add3A_683, %convert_element_type3A_738 : vector<16xi32>
          %add3A_740 = arith.constant 5 : i32
          %add3A_741 = vector.broadcast %add3A_740 : i32 to vector<16xi32>
          %add3A_742 = arith.addi %mul3A_78, %add3A_741 : vector<16xi32>
          %ge3A_743 = arith.constant 0 : i32
          %ge3A_744 = vector.broadcast %ge3A_743 : i32 to vector<16xi32>
          %ge3A_745 = arith.cmpi sge, %add3A_742, %ge3A_744 : vector<16xi32>
          %lt3A_746 = arith.constant 512 : i32
          %lt3A_747 = vector.broadcast %lt3A_746 : i32 to vector<16xi32>
          %lt3A_748 = arith.cmpi slt, %add3A_742, %lt3A_747 : vector<16xi32>
          %and3A_749 = arith.andi %ge3A_745, %lt3A_748 : vector<16xi1>
          %jit3A_750 = arith.constant 0 : i32
          %jit3A_751 = arith.constant 511 : i32
          %max3A_752 = vector.broadcast %jit3A_750 : i32 to vector<16xi32>
          %max3A_753 = arith.maxsi %max3A_752, %add3A_742 : vector<16xi32>
          %min3A_754 = vector.broadcast %jit3A_751 : i32 to vector<16xi32>
          %min3A_755 = arith.minsi %min3A_754, %max3A_753 : vector<16xi32>
          %mul3A_756 = arith.constant 4 : i32
          %mul3A_757 = vector.broadcast %mul3A_756 : i32 to vector<16xi32>
          %mul3A_758 = arith.muli %min3A_755, %mul3A_757 : vector<16xi32>
          %add3A_759 = vector.broadcast %mul3A_119 : i32 to vector<16xi32>
          %add3A_760 = arith.addi %add3A_759, %mul3A_758 : vector<16xi32>
          %gather3A_761 = tpu.vector_load_idx %arg7[%add3A_760] : memref<12288xf32, #tpu.memory_space<vmem>>[vector<16xi32>], vector<16xf32>,
          %add3A_762 = arith.constant 1 : i32
          %add3A_763 = vector.broadcast %add3A_762 : i32 to vector<16xi32>
          %add3A_764 = arith.addi %add3A_760, %add3A_763 : vector<16xi32>
          %gather3A_765 = tpu.vector_load_idx %arg7[%add3A_764] : memref<12288xf32, #tpu.memory_space<vmem>>[vector<16xi32>], vector<16xf32>,
          %add3A_766 = arith.constant 2 : i32
          %add3A_767 = vector.broadcast %add3A_766 : i32 to vector<16xi32>
          %add3A_768 = arith.addi %add3A_760, %add3A_767 : vector<16xi32>
          %gather3A_769 = tpu.vector_load_idx %arg7[%add3A_768] : memref<12288xf32, #tpu.memory_space<vmem>>[vector<16xi32>], vector<16xf32>,
          %sub3A_770 = arith.subf %gather3A_761, %gather3A : vector<16xf32>
          %sub3A_771 = arith.subf %gather3A_761, %gather3A : vector<16xf32>
          %mul3A_772 = arith.mulf %sub3A_770, %sub3A_771 : vector<16xf32>
          %sub3A_773 = arith.subf %gather3A_765, %gather3A_95 : vector<16xf32>
          %sub3A_774 = arith.subf %gather3A_765, %gather3A_95 : vector<16xf32>
          %mul3A_775 = arith.mulf %sub3A_773, %sub3A_774 : vector<16xf32>
          %add3A_776 = arith.addf %mul3A_772, %mul3A_775 : vector<16xf32>
          %sub3A_777 = arith.subf %gather3A_769, %gather3A_99 : vector<16xf32>
          %sub3A_778 = arith.subf %gather3A_769, %gather3A_99 : vector<16xf32>
          %mul3A_779 = arith.mulf %sub3A_777, %sub3A_778 : vector<16xf32>
          %add3A_780 = arith.addf %add3A_776, %mul3A_779 : vector<16xf32>
          %lt3A_781 = arith.constant 6.250000e+00 : f32
          %lt3A_782 = vector.broadcast %lt3A_781 : f32 to vector<16xf32>
          %lt3A_783 = arith.cmpf olt, %add3A_780, %lt3A_782 : vector<16xf32>
          %and3A_784 = arith.andi %and3A_749, %lt3A_783 : vector<16xi1>
          %and3A_785 = vector.broadcast %and3A_112 : i1 to vector<16xi1>
          %and3A_786 = arith.andi %and3A_784, %and3A_785 : vector<16xi1>
          %lt3A_787 = arith.constant 16 : i32
          %lt3A_788 = vector.broadcast %lt3A_787 : i32 to vector<16xi32>
          %lt3A_789 = arith.cmpi slt, %add3A_739, %lt3A_788 : vector<16xi32>
          %and3A_790 = arith.andi %and3A_786, %lt3A_789 : vector<16xi1>
          %add3A_791 = arith.addi %mul3A_81, %add3A_739 : vector<16xi32>
          %add3A_792 = vector.broadcast %add3A_124 : i32 to vector<16xi32>
          %add3A_793 = arith.addi %add3A_792, %min3A_755 : vector<16xi32>
          tpu.vector_store_idx %arg8[%add3A_791], %add3A_793 masked %and3A_790 : memref<4096xi32, #tpu.memory_space<vmem>>[vector<16xi32>], vector<16xi32>, vector<16xi1>
          %convert_element_type3A_794 = arith.extui %and3A_786 : vector<16xi1> to vector<16xi32>
          %add3A_795 = arith.addi %add3A_739, %convert_element_type3A_794 : vector<16xi32>
          %add3A_796 = arith.constant 1 : i32
          %add3A_797 = arith.addi %while3A_102, %add3A_796 : i32
          scf.yield %add3A_797, %add3A_795 : i32, vector<16xi32>
        }
      }
      %scan3A_64 = arith.constant 16 : i32
      %scan3A_65 = arith.constant 0 : i32
      %scan3A_66 = arith.constant 0 : i32
      %scan3A_67 = arith.constant 4 : i32
      %scan3A_68 = arith.addi %scan3A_66, %scan3A_67 : i32
      %scan3A_69 = arith.constant 1 : i32
      scf.for %scan3A_71 = %scan3A_66 to %scan3A_68 step %scan3A_69  : i32 {
        %mul3A_72 = arith.constant 4096 : i32
        %mul3A_73 = arith.muli %add3A_9, %mul3A_72 : i32
        %mul3A_74 = arith.constant 1024 : i32
        %mul3A_75 = arith.muli %scan3A_71, %mul3A_74 : i32
        %add3A_76 = arith.addi %mul3A_73, %mul3A_75 : i32
        %mul3A_77 = arith.constant 1024 : i32
        %mul3A_78 = arith.muli %scan3A_71, %mul3A_77 : i32
        %dma_start3A = tpu.memref_slice %arg8[%mul3A_78] : memref<4096xi32, #tpu.memory_space<vmem>> -> memref<1024xi32, #tpu.memory_space<vmem>>
        %dma_start3A_79 = arith.constant 0 : i32
        %dma_start3A_80 = arith.constant 0 : i32
        %dma_start3A_81 = tpu.memref_slice %arg4[%dma_start3A_79, %dma_start3A_80] : memref<65544x64xbf16, #tpu.memory_space<hbm>> -> memref<65544x64xbf16, #tpu.memory_space<hbm>>
        tpu.enqueue_indirect_dma source(%dma_start3A_81 : memref<65544x64xbf16, #tpu.memory_space<hbm>>) target(%arg9 : memref<1024x64xbf16, #tpu.memory_space<vmem>>) offsets(%dma_start3A : memref<1024xi32, #tpu.memory_space<vmem>>) semaphore(%arg11 : memref<!tpu.dma_semaphore, #tpu.memory_space<semaphore_mem>>)
        %dma_start3A_82 = tpu.memref_slice %arg8[%mul3A_78] : memref<4096xi32, #tpu.memory_space<vmem>> -> memref<1024xi32, #tpu.memory_space<vmem>>
        %dma_start3A_83 = arith.constant 0 : i32
        %dma_start3A_84 = arith.constant 0 : i32
        %dma_start3A_85 = tpu.memref_slice %arg3[%dma_start3A_83, %dma_start3A_84] : memref<65544x16xf32, #tpu.memory_space<hbm>> -> memref<65544x16xf32, #tpu.memory_space<hbm>>
        tpu.enqueue_indirect_dma source(%dma_start3A_85 : memref<65544x16xf32, #tpu.memory_space<hbm>>) target(%arg10 : memref<1024x16xf32, #tpu.memory_space<vmem>>) offsets(%dma_start3A_82 : memref<1024xi32, #tpu.memory_space<vmem>>) semaphore(%arg12 : memref<!tpu.dma_semaphore, #tpu.memory_space<semaphore_mem>>)
        %dma_wait3A = tpu.memref_slice %arg8[%mul3A_78] : memref<4096xi32, #tpu.memory_space<vmem>> -> memref<1024xi32, #tpu.memory_space<vmem>>
        %dma_wait3A_86 = arith.constant 0 : i32
        %dma_wait3A_87 = arith.constant 0 : i32
        %dma_wait3A_88 = tpu.memref_slice %arg4[%dma_wait3A_86, %dma_wait3A_87] : memref<65544x64xbf16, #tpu.memory_space<hbm>> -> memref<65544x64xbf16, #tpu.memory_space<hbm>>
        tpu.wait_indirect_dma semaphore(%arg11 : memref<!tpu.dma_semaphore, #tpu.memory_space<semaphore_mem>>) src(%dma_wait3A_88 : memref<65544x64xbf16, #tpu.memory_space<hbm>>) dst(%arg9 : memref<1024x64xbf16, #tpu.memory_space<vmem>>)
        %dma_wait3A_89 = tpu.memref_slice %arg8[%mul3A_78] : memref<4096xi32, #tpu.memory_space<vmem>> -> memref<1024xi32, #tpu.memory_space<vmem>>
        %dma_wait3A_90 = arith.constant 0 : i32
        %dma_wait3A_91 = arith.constant 0 : i32
        %dma_wait3A_92 = tpu.memref_slice %arg3[%dma_wait3A_90, %dma_wait3A_91] : memref<65544x16xf32, #tpu.memory_space<hbm>> -> memref<65544x16xf32, #tpu.memory_space<hbm>>
        tpu.wait_indirect_dma semaphore(%arg12 : memref<!tpu.dma_semaphore, #tpu.memory_space<semaphore_mem>>) src(%dma_wait3A_92 : memref<65544x16xf32, #tpu.memory_space<hbm>>) dst(%arg10 : memref<1024x16xf32, #tpu.memory_space<vmem>>)
        "tpu.region"() ({
          %run_scoped3A = tpu.sem_alloc : memref<!tpu.dma_semaphore, #tpu.memory_space<semaphore_mem>>
          %dma_start3A_93 = arith.constant 0 : i32
          %dma_start3A_94 = tpu.memref_slice %arg5[%add3A_76, %dma_start3A_93] : memref<262144x64xbf16, #tpu.memory_space<hbm>> -> memref<1024x64xbf16, #tpu.memory_space<hbm>>
          %dma_start3A_95 = arith.constant 0 : i32
          %dma_start3A_96 = tpu.memref_slice %arg5[%add3A_76, %dma_start3A_95] : memref<262144x64xbf16, #tpu.memory_space<hbm>> -> memref<1024x64xbf16, #tpu.memory_space<hbm>>
          tpu.enqueue_dma source(%arg9 : memref<1024x64xbf16, #tpu.memory_space<vmem>>) target(%dma_start3A_96 : memref<1024x64xbf16, #tpu.memory_space<hbm>>) target_semaphore(%run_scoped3A : memref<!tpu.dma_semaphore, #tpu.memory_space<semaphore_mem>>)
          %dma_wait3A_97 = arith.constant 0 : i32
          %dma_wait3A_98 = tpu.memref_slice %arg5[%add3A_76, %dma_wait3A_97] : memref<262144x64xbf16, #tpu.memory_space<hbm>> -> memref<1024x64xbf16, #tpu.memory_space<hbm>>
          %dma_wait3A_99 = arith.constant 0 : i32
          %dma_wait3A_100 = tpu.memref_slice %arg5[%add3A_76, %dma_wait3A_99] : memref<262144x64xbf16, #tpu.memory_space<hbm>> -> memref<1024x64xbf16, #tpu.memory_space<hbm>>
          tpu.wait_dma2 semaphore(%run_scoped3A : memref<!tpu.dma_semaphore, #tpu.memory_space<semaphore_mem>>) src(%arg9 : memref<1024x64xbf16, #tpu.memory_space<vmem>>) dst(%dma_wait3A_100 : memref<1024x64xbf16, #tpu.memory_space<hbm>>)
          tpu.yield
        }) : () -> ()
        "tpu.region"() ({
          %run_scoped3A = tpu.sem_alloc : memref<!tpu.dma_semaphore, #tpu.memory_space<semaphore_mem>>
          %dma_start3A_93 = arith.constant 0 : i32
          %dma_start3A_94 = tpu.memref_slice %arg6[%add3A_76, %dma_start3A_93] : memref<262144x16xf32, #tpu.memory_space<hbm>> -> memref<1024x16xf32, #tpu.memory_space<hbm>>
          %dma_start3A_95 = arith.constant 0 : i32
          %dma_start3A_96 = tpu.memref_slice %arg6[%add3A_76, %dma_start3A_95] : memref<262144x16xf32, #tpu.memory_space<hbm>> -> memref<1024x16xf32, #tpu.memory_space<hbm>>
          tpu.enqueue_dma source(%arg10 : memref<1024x16xf32, #tpu.memory_space<vmem>>) target(%dma_start3A_96 : memref<1024x16xf32, #tpu.memory_space<hbm>>) target_semaphore(%run_scoped3A : memref<!tpu.dma_semaphore, #tpu.memory_space<semaphore_mem>>)
          %dma_wait3A_97 = arith.constant 0 : i32
          %dma_wait3A_98 = tpu.memref_slice %arg6[%add3A_76, %dma_wait3A_97] : memref<262144x16xf32, #tpu.memory_space<hbm>> -> memref<1024x16xf32, #tpu.memory_space<hbm>>
          %dma_wait3A_99 = arith.constant 0 : i32
          %dma_wait3A_100 = tpu.memref_slice %arg6[%add3A_76, %dma_wait3A_99] : memref<262144x16xf32, #tpu.memory_space<hbm>> -> memref<1024x16xf32, #tpu.memory_space<hbm>>
          tpu.wait_dma2 semaphore(%run_scoped3A : memref<!tpu.dma_semaphore, #tpu.memory_space<semaphore_mem>>) src(%arg10 : memref<1024x16xf32, #tpu.memory_space<vmem>>) dst(%dma_wait3A_100 : memref<1024x16xf32, #tpu.memory_space<hbm>>)
          tpu.yield
        }) : () -> ()
      }
      %scan3A_70 = arith.constant 4 : i32
    }
    %scan3A_5 = arith.constant 2 : i32
    return
  }
}

module attributes {stable_mosaic.version = 14 : i64} {
  func.func @_tc_body(%arg0: i32, %arg1: memref<4096x64xbf16, #tpu.memory_space<vmem>>, %arg2: memref<4096x16xf32, #tpu.memory_space<vmem>>, %arg3: memref<4096x3xf32, #tpu.memory_space<vmem>>, %arg4: memref<3x64xf32, #tpu.memory_space<vmem>>, %arg5: memref<64x64xf32, #tpu.memory_space<vmem>>, %arg6: memref<1x64xf32, #tpu.memory_space<vmem>>, %arg7: memref<64x128xf32, #tpu.memory_space<vmem>>, %arg8: memref<1x128xf32, #tpu.memory_space<vmem>>, %arg9: memref<256x128xf32, #tpu.memory_space<vmem>>) attributes {dimension_semantics = [#tpu.dimension_semantics<arbitrary>], iteration_bounds = array<i64: 64>, scalar_prefetch = 0 : i64, scratch_operands = 0 : i64, tpu.core_type = #tpu.core_type<tc>, window_params = [{transform_indices = @transform_0, window_bounds = array<i64: 4096, 64>}, {transform_indices = @transform_1, window_bounds = array<i64: 4096, 16>}, {transform_indices = @transform_2, window_bounds = array<i64: 4096, 3>}, {pipeline_mode = #tpu.pipeline_mode<synchronous>, transform_indices = @transform_3, window_bounds = array<i64: 3, 64>}, {pipeline_mode = #tpu.pipeline_mode<synchronous>, transform_indices = @transform_4, window_bounds = array<i64: 64, 64>}, {pipeline_mode = #tpu.pipeline_mode<synchronous>, transform_indices = @transform_5, window_bounds = array<i64: 1, 64>}, {pipeline_mode = #tpu.pipeline_mode<synchronous>, transform_indices = @transform_6, window_bounds = array<i64: 64, 128>}, {pipeline_mode = #tpu.pipeline_mode<synchronous>, transform_indices = @transform_7, window_bounds = array<i64: 1, 128>}, {transform_indices = @transform_8, window_bounds = array<i64: 256, 128>}]} {
    %get3A = arith.constant 0 : index
    %get3A_0 = arith.constant 0 : index
    %get3A_1 = vector.load %arg1[%get3A, %get3A_0] : memref<4096x64xbf16, #tpu.memory_space<vmem>>, vector<4096x64xbf16>
    %get3A_2 = arith.constant 0 : index
    %get3A_3 = arith.constant 0 : index
    %get3A_4 = vector.load %arg2[%get3A_2, %get3A_3] : memref<4096x16xf32, #tpu.memory_space<vmem>>, vector<4096x16xf32>
    %slice3A = vector.extract_strided_slice %get3A_4 {offsets = [0, 0], sizes = [4096, 3], strides = [1, 1]} : vector<4096x16xf32> to vector<4096x3xf32>
    %get3A_5 = arith.constant 0 : index
    %get3A_6 = arith.constant 0 : index
    %get3A_7 = vector.load %arg3[%get3A_5, %get3A_6] : memref<4096x3xf32, #tpu.memory_space<vmem>>, vector<4096x3xf32>
    %sub3A = arith.subf %slice3A, %get3A_7 : vector<4096x3xf32>
    %get3A_8 = arith.constant 0 : index
    %get3A_9 = arith.constant 0 : index
    %get3A_10 = vector.load %arg5[%get3A_8, %get3A_9] : memref<64x64xf32, #tpu.memory_space<vmem>>, vector<64x64xf32>
    %convert_element_type3A = arith.truncf %get3A_10 : vector<64x64xf32> to vector<64x64xbf16>
    %dot_general3A = arith.constant dense<0.000000e+00> : vector<4096x64xf32>
    %dot_general3A_11 = tpu.matmul %get3A_1, %convert_element_type3A, %dot_general3A {dimension_numbers = #tpu.dot_dimension_numbers<[1], [0], [0], [1], [0, 0, 1, 1], [], []>, transpose_lhs_hint = false} : vector<4096x64xbf16>, vector<64x64xbf16>, vector<4096x64xf32> -> vector<4096x64xf32>
    %get3A_12 = arith.constant 0 : index
    %get3A_13 = arith.constant 0 : index
    %get3A_14 = vector.load %arg4[%get3A_12, %get3A_13] : memref<3x64xf32, #tpu.memory_space<vmem>>, vector<3x64xf32>
    %dot_general3A_15 = arith.constant dense<0.000000e+00> : vector<4096x64xf32>
    %dot_general3A_16 = tpu.matmul %sub3A, %get3A_14, %dot_general3A_15 {dimension_numbers = #tpu.dot_dimension_numbers<[1], [0], [0], [1], [0, 0, 1, 1], [], []>, transpose_lhs_hint = false} : vector<4096x3xf32>, vector<3x64xf32>, vector<4096x64xf32> -> vector<4096x64xf32>
    %add3A = arith.addf %dot_general3A_11, %dot_general3A_16 : vector<4096x64xf32>
    %get3A_17 = arith.constant 0 : index
    %get3A_18 = arith.constant 0 : index
    %get3A_19 = vector.load %arg6[%get3A_17, %get3A_18] : memref<1x64xf32, #tpu.memory_space<vmem>>, vector<1x64xf32>
    %add3A_20 = vector.broadcast %get3A_19 : vector<1x64xf32> to vector<4096x64xf32>
    %add3A_21 = arith.addf %add3A, %add3A_20 : vector<4096x64xf32>
    %max3A = arith.constant 0.000000e+00 : f32
    %max3A_22 = vector.broadcast %max3A : f32 to vector<4096x64xf32>
    %max3A_23 = arith.maximumf %add3A_21, %max3A_22 : vector<4096x64xf32>
    %convert_element_type3A_24 = arith.truncf %max3A_23 : vector<4096x64xf32> to vector<4096x64xbf16>
    %get3A_25 = arith.constant 0 : index
    %get3A_26 = arith.constant 0 : index
    %get3A_27 = vector.load %arg7[%get3A_25, %get3A_26] : memref<64x128xf32, #tpu.memory_space<vmem>>, vector<64x128xf32>
    %convert_element_type3A_28 = arith.truncf %get3A_27 : vector<64x128xf32> to vector<64x128xbf16>
    %dot_general3A_29 = arith.constant dense<0.000000e+00> : vector<4096x128xf32>
    %dot_general3A_30 = tpu.matmul %convert_element_type3A_24, %convert_element_type3A_28, %dot_general3A_29 {dimension_numbers = #tpu.dot_dimension_numbers<[1], [0], [0], [1], [0, 0, 1, 1], [], []>, transpose_lhs_hint = false} : vector<4096x64xbf16>, vector<64x128xbf16>, vector<4096x128xf32> -> vector<4096x128xf32>
    %get3A_31 = arith.constant 0 : index
    %get3A_32 = arith.constant 0 : index
    %get3A_33 = vector.load %arg8[%get3A_31, %get3A_32] : memref<1x128xf32, #tpu.memory_space<vmem>>, vector<1x128xf32>
    %add3A_34 = vector.broadcast %get3A_33 : vector<1x128xf32> to vector<4096x128xf32>
    %add3A_35 = arith.addf %dot_general3A_30, %add3A_34 : vector<4096x128xf32>
    %max3A_36 = arith.constant 0.000000e+00 : f32
    %max3A_37 = vector.broadcast %max3A_36 : f32 to vector<4096x128xf32>
    %max3A_38 = arith.maximumf %add3A_35, %max3A_37 : vector<4096x128xf32>
    %reshape3A = vector.shape_cast %max3A_38 : vector<4096x128xf32> to vector<256x16x128xf32>
    %reduce_max3A = arith.constant dense<0xFF800000> : vector<256x128xf32>
    %reduce_max3A_39 = vector.multi_reduction <maximumf>, %reshape3A, %reduce_max3A [1] : vector<256x16x128xf32> to vector<256x128xf32>
    %swap3A = arith.constant 0 : index
    %swap3A_40 = arith.constant 0 : index
    %swap3A_41 = vector.load %arg9[%swap3A, %swap3A_40] : memref<256x128xf32, #tpu.memory_space<vmem>>, vector<256x128xf32>
    tpu.vector_store %arg9[%swap3A, %swap3A_40], %reduce_max3A_39 {strides = array<i32>} : memref<256x128xf32, #tpu.memory_space<vmem>>, vector<256x128xf32>,
    return
  }
  func.func @transform_0(%arg0: i32) -> (i32, i32) {
    %c0_i32 = arith.constant 0 : i32
    %c0_i32_0 = arith.constant 0 : i32
    return %arg0, %c0_i32 : i32, i32
  }
  func.func @transform_1(%arg0: i32) -> (i32, i32) {
    %c0_i32 = arith.constant 0 : i32
    %c0_i32_0 = arith.constant 0 : i32
    return %arg0, %c0_i32 : i32, i32
  }
  func.func @transform_2(%arg0: i32) -> (i32, i32) {
    %c0_i32 = arith.constant 0 : i32
    %c0_i32_0 = arith.constant 0 : i32
    return %arg0, %c0_i32 : i32, i32
  }
  func.func @transform_3(%arg0: i32) -> (i32, i32) {
    %c0_i32 = arith.constant 0 : i32
    %c0_i32_0 = arith.constant 0 : i32
    %c0_i32_1 = arith.constant 0 : i32
    return %c0_i32, %c0_i32_0 : i32, i32
  }
  func.func @transform_4(%arg0: i32) -> (i32, i32) {
    %c0_i32 = arith.constant 0 : i32
    %c0_i32_0 = arith.constant 0 : i32
    %c0_i32_1 = arith.constant 0 : i32
    return %c0_i32, %c0_i32_0 : i32, i32
  }
  func.func @transform_5(%arg0: i32) -> (i32, i32) {
    %c0_i32 = arith.constant 0 : i32
    %c0_i32_0 = arith.constant 0 : i32
    %c0_i32_1 = arith.constant 0 : i32
    return %c0_i32, %c0_i32_0 : i32, i32
  }
  func.func @transform_6(%arg0: i32) -> (i32, i32) {
    %c0_i32 = arith.constant 0 : i32
    %c0_i32_0 = arith.constant 0 : i32
    %c0_i32_1 = arith.constant 0 : i32
    return %c0_i32, %c0_i32_0 : i32, i32
  }
  func.func @transform_7(%arg0: i32) -> (i32, i32) {
    %c0_i32 = arith.constant 0 : i32
    %c0_i32_0 = arith.constant 0 : i32
    %c0_i32_1 = arith.constant 0 : i32
    return %c0_i32, %c0_i32_0 : i32, i32
  }
  func.func @transform_8(%arg0: i32) -> (i32, i32) {
    %c0_i32 = arith.constant 0 : i32
    %c0_i32_0 = arith.constant 0 : i32
    return %arg0, %c0_i32 : i32, i32
  }
}

</mosaic_0001>

<sc_bundles>
// kernel: kernel.4.cloned.1.call-start
scs
__scs_entry_jumppad:
0x0: {  	(pc) =	sbr.rel $0x88, $3  }
0x1: {  	(tag) =	ssettag $0x0;
	lr =	simm.s32 $0x1  }
0x2: {  	[smem:$0x3F9A] =	sst lr;
	_ =	strace $0xD0000000  }
0x3: {  	_ = 	snop  }
0x4: {  	_ = 	snop  }
0x5: {  	_ = 	snop  }
0x6: {  	_ = 	snop  }
0x7: {  	_ = 	snop  }
__scs_overlays_trampoline_lowered:
0x8: {  	[smem:$0x3FA9] =	sst s0  }
0x9: {  	[smem:$0x3FAA] =	sst s1  }
0xa: {  	[smem:$0x3FAB] =	sst s2  }
0xb: {  	[smem:$0x3FAC] =	sst s3  }
0xc: {  	[smem:$0x3FAD] =	sst s4  }
0xd: {  	[smem:$0x3FAE] =	sst s5  }
0xe: {  	[smem:$0x3FAF] =	sst s6  }
0xf: {  	[smem:$0x3FB0] =	sst s7  }
0x10: {  	[smem:$0x3FB1] =	sst s8  }
0x11: {  	[smem:$0x3FB2] =	sst s9;
	s0 =	simm.s32 @!p0 $0x0  }
0x12: {  	s1 =	sld [smem:$0x3F98];
	s0 =	simm.s32 @p0 $0x1  }
0x13: {  	[smem:$0x3FB3] =	sst s0;
	s0 =	simm.s32 @!p1 $0x0  }
0x14: {  	s2 =	sld [smem:$0x3F97];
	s0 =	simm.s32 @p1 $0x1  }
0x15: {  	[smem:$0x3FB4] =	sst s0;
	s0 =	simm.s32 @!p2 $0x0  }
0x16: {  	s3 =	sld [smem:$0x3FDB];
	s0 =	simm.s32 @p2 $0x1  }
0x17: {  	s4 =	simm.s32 $0x1BF5;
	[smem:$0x3FB6] =	sst s0  }
0x18: {  	s0 =	sld [smem:$0x3F99];
	_ =	swait.ge [sflag:s4], $0x0  }
0x19: {  	s7 =	sld [smem:$0x3F9A]  }
0x1a: {  	s8 =	sadd.s32 $0xFFFFE003, lr  }
0x1b: {  	s9 =	sadd.s32 $0xFFFFFEF7, lr;
	s5 =	simm.s32 $0xFFFFFFFF;
	p2 =	slt.u32 s8, $0xFFFFF086  }
0x1c: {  	p1 =	slt.u32 s9, $0xF7A;
	s5 =	simm.s32 @!p2 $0x0  }
0x1d: {  	s5 =	simm.s32 @p1 $0x1;
	p0 =	seq.s32 s7, s2  }
0x1e: {  	s7 =	smul.u32 @!p0 $0xF7A, s2;
	p2 =	seq.s32 @!p0 s5, $0x0  }
0x1f: {  	s9 =	smul.u32 $0xF7A, s1;
	s8 =	simm.s32 @!p0 $0x1BF5;
	p2 =	por !p2, p0  }
0x20: {  	[sflag:s8] =	ssyncset.s32 @!p0 $0xFFFFF086;
	s6 =	sadd.s32 @!p0 s3, s7;
	s7 =	simm.s32 @!p0 $0x108  }
0x21: {  	s3 =	sadd.s32 s3, s9;
	s6 =	sadd.s32 @!p0 $0x88, s6;
	s7 =	simm.s32 @p2 $0x1082  }
0x22: {  	[simem:s7], [sflag:s8] =	dma.local @!p0 [hbm:s6], $0xF7A  }
0x23: {  	s9 =	sor.u32 $0xD0000000, s2;
	s6 =	simm.s32 $0x108;
	_ =	swait.ge @!p0 [sflag:s8], $0x0  }
0x24: {  	s3 =	sadd.s32 $0x88, s3;
	s6 =	simm.s32 @!p1 $0x1082;
	[sflag:s4] =	ssyncset.s32 $0xFFFFF086  }
0x25: {  	[simem:s6], [sflag:s4] =	dma.local [hbm:s3], $0xF7A  }
0x26: {  	[smem:$0x3F9A] =	sst s1;
	(tag) =	ssettag s2;
	_ =	strace s9  }
0x27: {  	s1 =	sld [smem:$0x3FAA]  }
0x28: {  	s2 =	sld [smem:$0x3FAB]  }
0x29: {  	s4 =	sld [smem:$0x3FAD]  }
0x2a: {  	p0 =	seq.s32 s5, $0x0;
	s5 =	sld [smem:$0x3FAE]  }
0x2b: {  	s6 =	sld [smem:$0x3FAF]  }
0x2c: {  	s7 =	sld [smem:$0x3FB0]  }
0x2d: {  	s3 =	simm.s32 $0x108;
	s8 =	sld [smem:$0x3FB1]  }
0x2e: {  	s3 =	simm.s32 @!p0 $0x1082;
	s9 =	sld [smem:$0x3FB2]  }
0x2f: {  	lr =	sadd.s32 s0, s3;
	s0 =	sld [smem:$0x3FA9]  }
0x30: {  	s3 =	sld [smem:$0x3FAC]  }
0x31: {  	[smem:$0x3FB5] =	sst s10  }
0x32: {  	s10 =	sld [smem:$0x3FB3];
	_ =	sdelay $0x3  }
0x33: {  	p0 =	seq.s32 s10, $0x1;
	s10 =	sld [smem:$0x3FB5];
	_ =	sdelay $0x3  }
0x34: {  	[smem:$0x3FB5] =	sst s10  }
0x35: {  	s10 =	sld [smem:$0x3FB4];
	_ =	sdelay $0x3  }
0x36: {  	p1 =	seq.s32 s10, $0x1;
	s10 =	sld [smem:$0x3FB5];
	_ =	sdelay $0x3  }
0x37: {  	[smem:$0x3FB5] =	sst s10  }
0x38: {  	s10 =	sld [smem:$0x3FB6]  }
0x39: {  	_ = 	snop;
	(pc) =	sbr.ind lr, $3  }
0x3a: {  	_ = 	snop  }
0x3b: {  	_ = 	snop  }
0x3c: {  	p2 =	seq.s32 s10, $0x1;
	s10 =	sld [smem:$0x3FB5]  }
0x3d: {  	_ =	shalt  }
0x3e: {  	_ =	shalt  }
0x3f: {  	_ =	shalt  }
0x40: {  	_ =	shalt  }
0x41: {  	_ =	shalt  }
0x42: {  	_ =	shalt  }
0x43: {  	_ =	shalt  }
0x44: {  	_ =	shalt  }
0x45: {  	_ =	shalt  }
0x46: {  	_ =	shalt  }
0x47: {  	_ =	shalt  }
0x48: {  	_ =	shalt  }
0x49: {  	_ =	shalt  }
0x4a: {  	_ =	shalt  }
0x4b: {  	_ =	shalt  }
0x4c: {  	_ =	shalt  }
0x4d: {  	_ =	shalt  }
0x4e: {  	_ =	shalt  }
0x4f: {  	_ =	shalt  }
0x50: {  	_ =	shalt  }
0x51: {  	_ =	shalt  }
0x52: {  	_ =	shalt  }
0x53: {  	_ =	shalt  }
0x54: {  	_ =	shalt  }
0x55: {  	_ =	shalt  }
0x56: {  	_ =	shalt  }
0x57: {  	_ =	shalt  }
0x58: {  	_ =	shalt  }
0x59: {  	_ =	shalt  }
0x5a: {  	_ =	shalt  }
0x5b: {  	_ =	shalt  }
0x5c: {  	_ =	shalt  }
0x5d: {  	_ =	shalt  }
0x5e: {  	_ =	shalt  }
0x5f: {  	_ =	shalt  }
0x60: {  	_ =	shalt  }
0x61: {  	_ =	shalt  }
0x62: {  	_ =	shalt  }
0x63: {  	_ =	shalt  }
0x64: {  	_ =	shalt  }
0x65: {  	_ =	shalt  }
0x66: {  	_ =	shalt  }
0x67: {  	_ =	shalt  }
0x68: {  	_ =	shalt  }
0x69: {  	_ =	shalt  }
0x6a: {  	_ =	shalt  }
0x6b: {  	_ =	shalt  }
0x6c: {  	_ =	shalt  }
0x6d: {  	_ =	shalt  }
0x6e: {  	_ =	shalt  }
0x6f: {  	_ =	shalt  }
0x70: {  	_ =	shalt  }
0x71: {  	_ =	shalt  }
0x72: {  	_ =	shalt  }
0x73: {  	_ =	shalt  }
0x74: {  	_ =	shalt  }
0x75: {  	_ =	shalt  }
0x76: {  	_ =	shalt  }
0x77: {  	_ =	shalt  }
0x78: {  	_ =	shalt  }
0x79: {  	_ =	shalt  }
0x7a: {  	_ =	shalt  }
0x7b: {  	_ =	shalt  }
0x7c: {  	_ =	shalt  }
0x7d: {  	_ =	shalt  }
0x7e: {  	_ =	shalt  }
0x7f: {  	_ =	shalt  }
0x80: {  	_ =	shalt  }
0x81: {  	_ =	shalt  }
0x82: {  	_ =	shalt  }
0x83: {  	_ =	shalt  }
0x84: {  	_ =	shalt  }
0x85: {  	_ =	shalt  }
0x86: {  	_ =	shalt  }
0x87: {  	_ =	shalt  }
.Lfunc_end0:
.L_simem_size_0:
called_computation_lowered:
.L_overlay_start_0:
0x88: {  	s2 =	sld [smem:$0x3FD9]  }
0x89: {  	s3 =	sld [smem:$0x3FFE];
	_ =	sdelay $0x1  }
0x8a: {  	s1 =	srdreg.scid  }
0x8b: {  	s0 =	sand.u32 $0x1, s1  }
0x8c: {  	s14 =	sshll.u32 s0, $0xA;
	s2 =	sadd.s32 s3, s2  }
0x8d: {  	s2 =	sadd.s32 s2, s14  }
0x8e: {  	[smem:$0x3FC1] =	sst s2  }
0x8f: {  	_ = 	snop  }
0x90: {  	s2 =	sld [smem:$0x3FD0];
	_ =	sdelay $0x2  }
0x91: {  	s15 =	simm.s32 $0xA;
	s4 =	simm.s32 $0x10  }
0x92: {  	[smem:s4], [sflag:s15] =	dma.local [hbm:s2], $0x1  }
0x93: {  	_ =	swait.eq [sflag:s15], $0x1  }
0x94: {  	[sflag:s15] =	ssyncset.done $0x0  }
0x95: {  	s16 =	sld [smem:$0x10];
	[sflag:s15] =	ssyncadd.s32 $0xFFFFFFFF  }
0x96: {  	s17 =	sld [smem:$0x11];
	(tm) =	ssettm $0x1  }
0x97: {  	s18 =	sld [smem:$0x3FFB];
	_ =	sdelay $0x3  }
0x98: {  	_ =	strace s18  }
0x99: {  	s4 =	sld [smem:$0x3FFC];
	_ =	sdelay $0x3  }
0x9a: {  	_ =	strace s4  }
0x9b: {  	s4 =	sld [smem:$0x3FFD];
	_ =	sdelay $0x3  }
0x9c: {  	_ =	strace s4  }
0x9d: {  	_ =	strace $0x8FFFFFFF  }
0x9e: {  	s19 =	sld [smem:$0x3FDB];
	_ =	sdelay $0x1  }
0x9f: {  	s5 =	simm.s32 $_scs_section_size  }
0xa0: {  	s6 =	simm.s32 $_size__tile_overlayer_lowered;
	s7 =	simm.s32 $_tile_overlayer_lowered  }
0xa1: {  	s22 =	simm.s32 $0x1BFF;
	s21 =	sshll.u32 s7, $0x1;
	s4 =	sadd.s32 s5, s19  }
0xa2: {  	s8 =	simm.s32 $0x0;
	s20 =	sshll.u32 s6, $0x1;
	s6 =	sadd.s32 s21, s4  }
0xa3: {  	[timem:s8], [sflag:s22] =	dma.local [hbm:s6], s20  }
0xa4: {  	_ =	swait.ge [sflag:s22], s20  }
0xa5: {  	s5 =	ssub.s32 $0x0, s20;
	[sflag:s22] =	ssyncset.done $0x0  }
0xa6: {  	[sflag:s22] =	ssyncadd.s32 s5;
	_ =	sdelay $0x1  }
0xa7: {  	s23 =	simm.s32 $0x1B8B  }
0xa8: {  	_ =	swait.ge [sflag:s23], $0x1  }
0xa9: {  	[sflag:s23] =	ssyncset.done $0x0  }
0xaa: {  	s25 =	simm.s32 $0x1B8E;
	s24 =	sld [smem:$0x3FFE];
	[sflag:s23] =	ssyncadd.s32 $0xFFFFFFFF  }
0xab: {  	s26 =	simm.s32 $execute0_lowered;
	[smem:$0x3FD2] =	sst s25  }
0xac: {  	s6 =	sshll.u32 s26, $0x1;
	_ =	strace $0x80000046;
	[dreg:$0x1] =	wrdreg $0xFFFFFFFF  }
0xad: {  	s28 =	simm.s32 $_size_execute0_lowered;
	s4 =	sadd.s32 s4, s6;
	[dreg:$0x0] =	wrdreg $0x0  }
0xae: {  	s6 =	sshll.u32 s28, $0x1;
	[dreg:$0x2] =	wrdreg s4  }
0xaf: {  	[dreg:$0x3] =	wrdreg s6  }
0xb0: {  	[dreg:$0x4] =	wrdreg $0xC0  }
0xb1: {  	_ =	task [dreg:s8], $0x5FFFF  }
0xb2: {  	[dreg:$0x1] =	wrdreg $0xFFFFFFFF  }
0xb3: {  	[dreg:$0x0] =	wrdreg $0x60  }
0xb4: {  	[dreg:$0x2] =	wrdreg s16  }
0xb5: {  	[dreg:$0x3] =	wrdreg s17  }
0xb6: {  	[dreg:$0x4] =	wrdreg s24  }
0xb7: {  	[dreg:$0x5] =	wrdreg $0x9  }
0xb8: {  	_ =	task.clear_ibuf [dreg:s8], $0x6FFFF;
	_ =	strace $0x90000046  }
0xb9: {  	s29 =	simm.s32 $0x9;
	_ =	strace $0x80000048  }
0xba: {  	_ =	swait.ge [sflag:s29], $0x1  }
0xbb: {  	[sflag:s29] =	ssyncadd.s32 $0xFFFFFFFF  }
0xbc: {  	_ =	strace $0x90000048  }
0xbd: {  	_ =	sfence  }
0xbe: {  	s30 =	sld [smem:$0x0];
	_ =	sdelay $0x2  }
0xbf: {  	s31 =	sshll.u32 s1, $0xD;
	s1 =	sshrl.u32 s1, $0x2  }
0xc0: {  	s3 =	sand.u32 $0x4000, s31;
	s1 =	sadd.s32 s1, s30  }
0xc1: {  	s0 =	sor.u32 s3, s0;
	s1 =	sshll.u32 s1, $0x11  }
0xc2: {  	s0 =	sor.u32 s1, s0  }
0xc3: {  	s0 =	sadd.s32 $0x8F2B, s0  }
0xc4: {  	[sflag:s0] =	ssyncadd.remote.s32 $0x1  }
0xc5: {  	_ =	sfence.sel $0xFFFF  }
0xc6: {  	[dreg:$0x0] =	wrdreg $0xFFFFFFFF;
	(pc) =	sbr.abs _section_cstart, $3  }
0xc7: {  	[dreg:$0x1] =	wrdreg $0xFFFFFFFF  }
0xc8: {  	_ =	task.clear_ibuf [dreg:s8], $0x2FFFF;
	_ =	strace $0x9FFFFFFF  }
0xc9: {  	(tm) =	ssettm $0x7FFFFFFF  }
tec
execute0_lowered:
.L_overlay_start_1:
0x0: {  	(tag) =	ssettag $0x1  }
0x1: {  	s1 =	rddreg [dreg:$0x0]  }
0x2: {  	s2 =	rddreg [dreg:$0x1]  }
0x3: {  	s4 =	rddreg [dreg:$0x2];
	s3 =	simm.s32 $0x0  }
0x4: {  	[smem:$0x7FF] =	sst s3  }
0x5: {  	s0 =	rddreg [dreg:$0x3];
	v0 =	vimm.s32 $0x80000000;
	_ =	strace $0x80000047  }
0x6: {  	(xrf0) =	vmin.scan.msk.u32 $0xffff, v0;
	_ =	sdelay $0x5  }
0x7: {  	v0, _, _ =	vpop (xrf0)  }
0x8: {  	(v2sf) =	vpush v0, $0xF;
	_ =	sdelay $0x6  }
0x9: {  	s5 =	srdreg.scid;
	s14 =	simm.s32 $0x400;
	s15 =	simm.s32 $0x4000  }
0xa: {  	s16 =	simm.s32 $0xC000;
	s17 =	simm.s32 $0x2;
	s18 =	simm.s32 $0x3400  }
0xb: {  	s19 =	simm.s32 $0x3800;
	s20 =	simm.s32 $0x3C00;
	s21 =	simm.s32 $0x0  }
0xc: {  	s8 =	sand.u32 $0x1, s5;
	s5 =	sadd.s32 $0x2800, s4;
	s6 =	sadd.s32 $0x42A00, s4  }
0xd: {  	s7 =	sadd.s32 $0x142A00, s4;
	s4 =	stileid.u32;
	s9 =	ssub.s32 $0x2, s8  }
.Ltmp0:
0xe: {  	s11 =	sshll.u32 s4, $0x2;
	s8 =	sshll.u32 s8, $0x1;
	(pc) =	sbr.rel .LBB2_1-.Ltmp0, $4  }
0xf: {  	s12 =	sshrl.u32 s4, $0x3;
	s10 =	sshrl.u32 s9, $0x1;
	s8 =	sor.u32 s8, s11  }
0x10: {  	s31 =	sshll.u32 s12, $0xF;
	s10 =	ssub.s32 s9, s10;
	s9 =	sshll.u32 s12, $0x11  }
0x11: {  	v1 =	vlaneseq.u32;
	s11 =	sadd.s32 $0xFFFFFA00, s31;
	s12 =	simm.s32 $0x3;
	s13 =	spop (v2sf)  }
0x12: {  	vm0 =	vmxor vm0, vm0;
	v2 =	vimm.s32 $0x0;
	s10 =	smax.u32 s10, $0x1;
	v0 =	vimm.s32 $0x10000;
	p0 =	sgt.u32 s13, $0x8000000F;
	s13 =	simm.s32 $0x3000  }
.LBB2_10:
0x13: {  	s21 =	sadd.s32 $0x1, s21  }
0x14: {  	p1 =	sne.s32 s21, s10  }
.Ltmp1:
0x15: {  	_ = 	snop;
	(pc) =	sbr.rel @!p1 .LBB2_11-.Ltmp1, $1  }
0x16: {  	_ =	sdelay $0x3  }
.LBB2_1:
.Ltmp2:
0x17: {  	(pc) =	sbr.rel .LBB2_2-.Ltmp2, $2  }
0x18: {  	_ =	sdelay $0x2  }
0x19: {  	p2 =	por $0x1, $0x1;
	s23 =	simm.s32 $0x0  }
.LBB2_9:
0x1a: {  	[tilespmem:s15], [sflag:$0x1] =	stream.indirect.gather [hbm4b:s5+s14], $0x20, s13, s14, $0xb8;
	[tilespmem:$0x10000] =	vst v63  }
0x1b: {  	s23 =	simm.s32 $0x1  }
0x1c: {  	[tilespmem:s16], [sflag:$0x2] =	stream.indirect.gather [hbm4b:s2+s14], $0x10, s13, s14, $0xb8;
	[tilespmem:$0x10000] =	vst v63  }
0x1d: {  	_ =	swait.ge [sflag:s23], $0x8000  }
0x1e: {  	[sflag:s23] =	ssyncset.done $0x0  }
0x1f: {  	[sflag:s23] =	ssyncadd.s32 $0xFFFF8000  }
0x20: {  	_ =	swait.ge [sflag:s17], $0x4000  }
0x21: {  	s24 =	sshll.u32 s22, $0xE;
	[sflag:s17] =	ssyncset.done $0x0  }
0x22: {  	s24 =	sadd.s32 s6, s24;
	[sflag:s17] =	ssyncadd.s32 $0xFFFFC000  }
0x23: {  	[hbm4b:s24+s3] =	stream.linear.scatter [tilespmem:s15], [sflag:$0x3], $0x8000, $0x38;
	[tilespmem:$0x10000] =	vst v63  }
0x24: {  	_ =	swait.ge [sflag:s12], $0x8000  }
0x25: {  	s25 =	sshll.u32 s22, $0xD;
	[sflag:s12] =	ssyncset.done $0x0  }
0x26: {  	s24 =	sadd.s32 s7, s25;
	[sflag:s12] =	ssyncadd.s32 $0xFFFF8000  }
0x27: {  	[hbm4b:s24+s3] =	stream.linear.scatter [tilespmem:s16], [sflag:$0x3], $0x4000, $0x38;
	[tilespmem:$0x10000] =	vst v63  }
0x28: {  	_ =	swait.ge [sflag:s12], $0x4000  }
0x29: {  	[sflag:s12] =	ssyncset.done $0x0  }
0x2a: {  	[sflag:s12] =	ssyncadd.s32 $0xFFFFC000  }
0x2b: {  	[tilespmem:s15], [sflag:$0x1] =	stream.indirect.gather [hbm4b:s5+s14], $0x20, s18, s14, $0xb8;
	[tilespmem:$0x10000] =	vst v63  }
0x2c: {  	_ = 	snop  }
0x2d: {  	[tilespmem:s16], [sflag:$0x2] =	stream.indirect.gather [hbm4b:s2+s14], $0x10, s18, s14, $0xb8;
	[tilespmem:$0x10000] =	vst v63  }
0x2e: {  	_ =	swait.ge [sflag:s23], $0x8000  }
0x2f: {  	[sflag:s23] =	ssyncset.done $0x0  }
0x30: {  	s26 =	sshll.u32 s22, $0xC;
	[sflag:s23] =	ssyncadd.s32 $0xFFFF8000  }
0x31: {  	s28 =	sor.u32 $0x400, s26;
	_ =	swait.ge [sflag:s17], $0x4000  }
0x32: {  	s25 =	sshll.u32 s28, $0x2;
	[sflag:s17] =	ssyncset.done $0x0  }
0x33: {  	s25 =	sadd.s32 s6, s25;
	[sflag:s17] =	ssyncadd.s32 $0xFFFFC000  }
0x34: {  	[hbm4b:s25+s3] =	stream.linear.scatter [tilespmem:s15], [sflag:$0x3], $0x8000, $0x38;
	[tilespmem:$0x10000] =	vst v63  }
0x35: {  	_ =	swait.ge [sflag:s12], $0x8000  }
0x36: {  	s24 =	sshll.u32 s28, $0x1;
	[sflag:s12] =	ssyncset.done $0x0  }
0x37: {  	s24 =	sadd.s32 s7, s24;
	[sflag:s12] =	ssyncadd.s32 $0xFFFF8000  }
0x38: {  	[hbm4b:s24+s3] =	stream.linear.scatter [tilespmem:s16], [sflag:$0x3], $0x4000, $0x38;
	[tilespmem:$0x10000] =	vst v63  }
0x39: {  	_ =	swait.ge [sflag:s12], $0x4000  }
0x3a: {  	[sflag:s12] =	ssyncset.done $0x0  }
0x3b: {  	[sflag:s12] =	ssyncadd.s32 $0xFFFFC000  }
0x3c: {  	[tilespmem:s15], [sflag:$0x1] =	stream.indirect.gather [hbm4b:s5+s14], $0x20, s19, s14, $0xb8;
	[tilespmem:$0x10000] =	vst v63  }
0x3d: {  	_ = 	snop  }
0x3e: {  	[tilespmem:s16], [sflag:$0x2] =	stream.indirect.gather [hbm4b:s2+s14], $0x10, s19, s14, $0xb8;
	[tilespmem:$0x10000] =	vst v63  }
0x3f: {  	_ =	swait.ge [sflag:s23], $0x8000  }
0x40: {  	[sflag:s23] =	ssyncset.done $0x0  }
0x41: {  	[sflag:s23] =	ssyncadd.s32 $0xFFFF8000  }
0x42: {  	s29 =	sor.u32 $0x800, s26;
	_ =	swait.ge [sflag:s17], $0x4000  }
0x43: {  	s30 =	sshll.u32 s29, $0x2;
	[sflag:s17] =	ssyncset.done $0x0  }
0x44: {  	s25 =	sadd.s32 s6, s30;
	[sflag:s17] =	ssyncadd.s32 $0xFFFFC000  }
0x45: {  	[hbm4b:s25+s3] =	stream.linear.scatter [tilespmem:s15], [sflag:$0x3], $0x8000, $0x38;
	[tilespmem:$0x10000] =	vst v63  }
0x46: {  	_ =	swait.ge [sflag:s12], $0x8000  }
0x47: {  	s24 =	sshll.u32 s29, $0x1;
	[sflag:s12] =	ssyncset.done $0x0  }
0x48: {  	s24 =	sadd.s32 s7, s24;
	[sflag:s12] =	ssyncadd.s32 $0xFFFF8000  }
0x49: {  	[hbm4b:s24+s3] =	stream.linear.scatter [tilespmem:s16], [sflag:$0x3], $0x4000, $0x38;
	[tilespmem:$0x10000] =	vst v63  }
0x4a: {  	_ =	swait.ge [sflag:s12], $0x4000  }
0x4b: {  	[sflag:s12] =	ssyncset.done $0x0  }
0x4c: {  	[sflag:s12] =	ssyncadd.s32 $0xFFFFC000  }
0x4d: {  	[tilespmem:s15], [sflag:$0x1] =	stream.indirect.gather [hbm4b:s5+s14], $0x20, s20, s14, $0xb8;
	[tilespmem:$0x10000] =	vst v63  }
0x4e: {  	_ = 	snop  }
0x4f: {  	[tilespmem:s16], [sflag:$0x2] =	stream.indirect.gather [hbm4b:s2+s14], $0x10, s20, s14, $0xb8;
	[tilespmem:$0x10000] =	vst v63  }
0x50: {  	_ =	swait.ge [sflag:s23], $0x8000  }
0x51: {  	[sflag:s23] =	ssyncset.done $0x0  }
0x52: {  	[sflag:s23] =	ssyncadd.s32 $0xFFFF8000  }
0x53: {  	s22 =	sor.u32 $0xC00, s26;
	_ =	swait.ge [sflag:s17], $0x4000  }
0x54: {  	s31 =	sshll.u32 s22, $0x2;
	[sflag:s17] =	ssyncset.done $0x0  }
0x55: {  	s24 =	sadd.s32 s6, s31;
	[sflag:s17] =	ssyncadd.s32 $0xFFFFC000  }
0x56: {  	[hbm4b:s24+s3] =	stream.linear.scatter [tilespmem:s15], [sflag:$0x3], $0x8000, $0x38;
	[tilespmem:$0x10000] =	vst v63  }
0x57: {  	_ =	swait.ge [sflag:s12], $0x8000  }
0x58: {  	s22 =	sshll.u32 s22, $0x1;
	[sflag:s12] =	ssyncset.done $0x0  }
.Ltmp3:
0x59: {  	s22 =	sadd.s32 s7, s22;
	[sflag:s12] =	ssyncadd.s32 $0xFFFF8000;
	(pc) =	sbr.rel @!p1 .LBB2_10-.Ltmp3, $4  }
0x5a: {  	[hbm4b:s22+s3] =	stream.linear.scatter [tilespmem:s16], [sflag:$0x3], $0x4000, $0x38;
	[tilespmem:$0x10000] =	vst v63  }
0x5b: {  	_ =	swait.ge [sflag:s12], $0x4000  }
0x5c: {  	[sflag:s12] =	ssyncset.done $0x0  }
0x5d: {  	p2 =	por $0x0, $0x0;
	[sflag:s12] =	ssyncadd.s32 $0xFFFFC000  }
.LBB2_2:
0x5e: {  	s22 =	sor.u32 s8, s23  }
0x5f: {  	s24 =	sshll.u32 s22, $0x1  }
0x60: {  	s24 =	sand.u32 $0x3E, s24  }
0x61: {  	s25 =	smax.u32 s24, $0x3  }
0x62: {  	s25 =	smin.u32 s25, $0x3D  }
0x63: {  	s25 =	sadd.s32 $0xFFFFFFFD, s25  }
0x64: {  	s26 =	sshll.u32 s25, $0xB  }
0x65: {  	s26 =	sadd.s32 s9, s26  }
0x66: {  	s26 =	sshrl.u32 s26, $0x3  }
0x67: {  	s28 =	simm.s32 $0x0;
	s26 =	sadd.s32 s1, s26  }
0x68: {  	[tilespmem:s28], [sflag:$0x3] =	stream.linear.gather [hbm4b:s26+s28], $0x3000, $0x38;
	[tilespmem:$0x10000] =	vst v63  }
0x69: {  	_ =	swait.ge [sflag:s12], $0x3000  }
0x6a: {  	p1 =	por p2, p2;
	[sflag:s12] =	ssyncset.done $0x0  }
0x6b: {  	s26 =	simm.s32 $0x40;
	s28 =	simm.s32 $0x0;
	[sflag:s12] =	ssyncadd.s32 $0xFFFFD000  }
.LBB2_3:
0x6c: {  	p2 =	seq.s32 s26, $0x3FC0;
	[tilespmem:s28+$0x3000] =	vst v0;
	s28 =	smov.u32 s26;
	s26 =	sadd.s32 $0x40, s26  }
.Ltmp4:
0x6d: {  	(pc) =	sbr.rel @!p2 .LBB2_3-.Ltmp4, $2  }
0x6e: {  	_ =	sdelay $0x2  }
0x6f: {  	s28 =	sshra.s32 s28, $0x2  }
0x70: {  	s23 =	sadd.s32 s23, s8  }
.Ltmp5:
0x71: {  	s26 =	sand.u32 $0x1F, s23;
	(pc) =	sbr.rel .LBB2_5-.Ltmp5, $4  }
0x72: {  	s24 =	ssub.s32 s24, s25;
	s29 =	sshll.u32 s26, $0x1  }
0x73: {  	s24 =	sshll.u32 s24, $0x9;
	s30 =	smax.u32 s29, $0x3  }
0x74: {  	s31 =	sshll.u32 s26, $0xA;
	s26 =	simm.s32 $0x0;
	s23 =	smin.u32 s30, $0x3D  }
0x75: {  	[tilespmem:s28+$0x3000] =	vst v0;
	v3 =	vmov s24;
	s24 =	sadd.s32 s31, s11;
	s25 =	sadd.s32 $0xFFFFFFFD, s29;
	s23 =	ssub.s32 s29, s23  }
.LBB2_8:
0x76: {  	s26 =	sadd.s32 $0x1, s26  }
0x77: {  	p2 =	seq.s32 s26, $0x10  }
.Ltmp6:
0x78: {  	_ = 	snop;
	(pc) =	sbr.rel @p2 .LBB2_9-.Ltmp6, $1  }
0x79: {  	_ =	sdelay $0x3  }
.LBB2_5:
.Ltmp7:
0x7a: {  	(pc) =	sbr.rel @p0 .LBB2_8-.Ltmp7, $1  }
0x7b: {  	_ =	sdelay $0x3  }
0x7c: {  	s28 =	sshll.u32 s26, $0x4  }
0x7d: {  	v42 =	vimm.s32 $0x0;
	v41 =	vor.u32 s28, v1;
	v43 =	vmov s28  }
0x7e: {  	v4 =	vshll.u32 v41, $0x1;
	v25 =	vshll.u32 v41, $0x3;
	vm1 =	vlt.u32 v41, $0xFE  }
0x7f: {  	vm2 =	vlt.u32 v41, $0xFF;
	vm3 =	vlt.u32 v43, $0x100;
	v5 =	vor.u32 v3, v4  }
0x80: {  	v6 =	vmax.u32 v4, $0x5;
	v8 =	vmax.u32 v4, $0x6;
	v45 =	vadd.s32 $0xFFFFFFFA, v4  }
0x81: {  	v12 =	vmax.u32 v4, $0x3;
	v13 =	vmax.u32 v4, $0x4;
	v46 =	vadd.s32 $0xFFFFFFFC, v4  }
0x82: {  	v18 =	vmax.u32 v4, $0x1;
	v47 =	vadd.s32 $0xFFFFFFFE, v4;
	v20 =	vmax.u32 v4, $0x2  }
0x83: {  	v23 =	vmin.u32 v4, $0x1FD;
	v27 =	vor.u32 $0x1, v4;
	v30 =	vmin.u32 v4, $0x1FB  }
0x84: {  	v33 =	vmin.u32 v4, $0x1FC;
	v36 =	vmin.u32 v4, $0x1FA;
	v37 =	vshll.u32 v5, $0x2  }
0x85: {  	v5 =	vshll.u32 v41, $0x4;
	v6 =	vadd.s32 $0xFFFFFFFB, v6;
	v8 =	vadd.s32 $0xFFFFFFFA, v8  }
0x86: {  	v12 =	vadd.s32 $0xFFFFFFFD, v12;
	v13 =	vadd.s32 $0xFFFFFFFC, v13;
	v18 =	vadd.s32 $0xFFFFFFFF, v18  }
0x87: {  	v20 =	vadd.s32 $0xFFFFFFFE, v20;
	v23 =	vadd.s32 $0x2, v23;
	v28 =	vshll.u32 v27, $0x2  }
0x88: {  	v30 =	vadd.s32 $0x4, v30;
	v33 =	vadd.s32 $0x3, v33;
	v36 =	vadd.s32 $0x5, v36  }
0x89: {  	vm4 =	vlt.u32 v47, $0x200;
	vm5 =	vlt.u32 v46, $0x200;
	vm6 =	vlt.u32 v45, $0x200  }
0x8a: {  	v40 =	vor.u32 $0x1, v37;
	v44 =	vor.u32 $0x2, v37;
	v7 =	vshll.u32 v6, $0x2  }
0x8b: {  	v9 =	vshll.u32 v8, $0x2;
	v14 =	vshll.u32 v12, $0x2;
	v15 =	vshll.u32 v13, $0x2  }
0x8c: {  	v19 =	vshll.u32 v18, $0x2;
	v21 =	vshll.u32 v20, $0x2;
	v26 =	vshll.u32 v23, $0x2  }
0x8d: {  	v32 =	vshll.u32 v30, $0x2;
	v34 =	vshll.u32 v33, $0x2;
	v39 =	vshll.u32 v36, $0x2  }
0x8e: {  	v11 =	vand.u32 $0x4, v7;
	v17 =	vand.u32 $0x4, v14;
	v24 =	vand.u32 $0x4, v19  }
0x8f: {  	v31 =	vand.u32 $0x4, v26;
	v38 =	vand.u32 $0x4, v32;
	v10 =	vor.u32 $0x1, v11  }
0x90: {  	v11 =	vor.u32 $0x2, v11;
	v16 =	vor.u32 $0x1, v17;
	v17 =	vor.u32 $0x2, v17;
	v37 =	vld.idx.msk [tilespmem:v37+s3+$0x0], $0xffff  }
0x91: {  	v22 =	vor.u32 $0x1, v24;
	v24 =	vor.u32 $0x2, v24;
	v29 =	vor.u32 $0x1, v31;
	v40 =	vld.idx.msk [tilespmem:v40+s3+$0x0], $0xffff  }
0x92: {  	s29 =	simm.s32 $0x0;
	s28 =	smov.u32 s24;
	v31 =	vor.u32 $0x2, v31;
	v35 =	vor.u32 $0x1, v38;
	v38 =	vor.u32 $0x2, v38;
	v41 =	vld.idx.msk [tilespmem:v44+s3+$0x0], $0xffff  }
.LBB2_7:
0x93: {  	s30 =	sadd.s32 s29, s23  }
0x94: {  	p2 =	sgt.s32 s30, $0x0  }
0x95: {  	s30 =	simm.s32 @!p2 $0x0  }
0x96: {  	s30 =	smin.u32 s30, $0x5  }
0x97: {  	s30 =	sshll.u32 s30, $0xB  }
0x98: {  	v43 =	vadd.s32 s30, v9  }
0x99: {  	v44 =	vand.u32 $0x3FF8, v43  }
0x9a: {  	v45 =	vor.u32 $0x1, v44;
	_ =	sdelay $0x1  }
0x9b: {  	v44 =	vor.u32 $0x2, v44;
	_ =	sdelay $0x1  }
0x9c: {  	v43 =	vld.idx.msk [tilespmem:v43+s3+$0x0], $0xffff  }
0x9d: {  	v45 =	vld.idx.msk [tilespmem:v45+s3+$0x0], $0xffff;
	_ =	sdelay $0x1  }
0x9e: {  	v44 =	vld.idx.msk [tilespmem:v44+s3+$0x0], $0xffff;
	_ =	sdelay $0x2  }
0x9f: {  	v43 =	vsub.f32 v43, v37;
	v45 =	vsub.f32 v45, v40;
	_ =	sdelay $0x1  }
0xa0: {  	v43 =	vmul.f32 v43, v43;
	v44 =	vsub.f32 v44, v41;
	v45 =	vmul.f32 v45, v45;
	_ =	sdelay $0x1  }
0xa1: {  	v44 =	vmul.f32 v44, v44;
	v43 =	vadd.f32 v45, v43;
	_ =	sdelay $0x1  }
0xa2: {  	v43 =	vadd.f32 v44, v43  }
0xa3: {  	s31 =	sadd.s32 s29, s25  }
0xa4: {  	vm7 =	vmmov vm0;
	p2 =	slt.u32 s31, $0x40;
	vm8 =	vlt.f32 v43, $6.250000000e+00  }
0xa5: {  	vm7 =	vmneg @p2 vm7;
	vm8 =	vmand vm6, vm8  }
0xa6: {  	vm9 =	vlt.s32 v42, $0x10;
	vm8 =	vmand vm7, vm8  }
0xa7: {  	vm9 =	vmand vm9, vm8  }
0xa8: {  	v54 =	vadd.s32 v5, v42;
	v55 =	vor.u32 s30, v7  }
0xa9: {  	v56 =	vand.u32 $0x3FF8, v55  }
0xaa: {  	v46 =	vor.u32 v10, v56;
	_ =	sdelay $0x1  }
0xab: {  	v47 =	vor.u32 s28, v8;
	v45 =	vor.u32 v11, v56  }
0xac: {  	[tilespmem:v54+s13+$0x0] =	vst.idx.msk vm9, v47  }
0xad: {  	v43 =	vld.idx.msk [tilespmem:v55+s3+$0x0], $0xffff  }
0xae: {  	v57 =	vld.idx.msk [tilespmem:v46+s3+$0x0], $0xffff;
	_ =	sdelay $0x1  }
0xaf: {  	v45 =	vld.idx.msk [tilespmem:v45+s3+$0x0], $0xffff;
	_ =	sdelay $0x2  }
0xb0: {  	v43 =	vsub.f32 v43, v37;
	v44 =	vsub.f32 v57, v40;
	_ =	sdelay $0x1  }
0xb1: {  	v45 =	vsub.f32 v45, v41;
	v43 =	vmul.f32 v43, v43;
	v44 =	vmul.f32 v44, v44;
	_ =	sdelay $0x1  }
0xb2: {  	v58 =	vmul.f32 v45, v45;
	v43 =	vadd.f32 v44, v43;
	_ =	sdelay $0x1  }
0xb3: {  	v43 =	vadd.f32 v58, v43;
	_ =	sdelay $0x1  }
0xb4: {  	v59 =	vsel vm8, $0x1, v2;
	vm8 =	vlt.f32 v43, $6.250000000e+00  }
0xb5: {  	v60 =	vadd.s32 v59, v42;
	vm8 =	vmand vm6, vm8  }
0xb6: {  	vm13 =	vlt.s32 v60, $0x10;
	vm8 =	vmand vm7, vm8  }
0xb7: {  	vm9 =	vmand vm13, vm8  }
0xb8: {  	v62 =	vadd.s32 s30, v15;
	v61 =	vadd.s32 v5, v60  }
0xb9: {  	v63 =	vand.u32 $0x3FF8, v62  }
0xba: {  	v48 =	vor.u32 $0x1, v63;
	_ =	sdelay $0x1  }
0xbb: {  	v49 =	vor.u32 s28, v6;
	v45 =	vor.u32 $0x2, v63  }
0xbc: {  	[tilespmem:v61+s13+$0x0] =	vst.idx.msk vm9, v49  }
0xbd: {  	v43 =	vld.idx.msk [tilespmem:v62+s3+$0x0], $0xffff  }
0xbe: {  	v50 =	vld.idx.msk [tilespmem:v48+s3+$0x0], $0xffff;
	_ =	sdelay $0x1  }
0xbf: {  	v45 =	vld.idx.msk [tilespmem:v45+s3+$0x0], $0xffff;
	_ =	sdelay $0x2  }
0xc0: {  	v43 =	vsub.f32 v43, v37;
	v44 =	vsub.f32 v50, v40;
	_ =	sdelay $0x1  }
0xc1: {  	v45 =	vsub.f32 v45, v41;
	v43 =	vmul.f32 v43, v43;
	v44 =	vmul.f32 v44, v44;
	_ =	sdelay $0x1  }
0xc2: {  	v51 =	vmul.f32 v45, v45;
	v43 =	vadd.f32 v44, v43;
	_ =	sdelay $0x1  }
0xc3: {  	v43 =	vadd.f32 v51, v43;
	_ =	sdelay $0x1  }
0xc4: {  	v52 =	vsel vm8, $0x1, v2;
	vm8 =	vlt.f32 v43, $6.250000000e+00  }
0xc5: {  	v42 =	vadd.s32 v52, v60;
	vm8 =	vmand vm5, vm8  }
0xc6: {  	vm14 =	vlt.s32 v42, $0x10;
	vm8 =	vmand vm7, vm8  }
0xc7: {  	vm9 =	vmand vm14, vm8  }
0xc8: {  	v54 =	vor.u32 s30, v14;
	v53 =	vadd.s32 v5, v42  }
0xc9: {  	v55 =	vand.u32 $0x3FF8, v54  }
0xca: {  	v56 =	vor.u32 v16, v55;
	_ =	sdelay $0x1  }
0xcb: {  	v57 =	vor.u32 s28, v13;
	v45 =	vor.u32 v17, v55  }
0xcc: {  	[tilespmem:v53+s13+$0x0] =	vst.idx.msk vm9, v57  }
0xcd: {  	v43 =	vld.idx.msk [tilespmem:v54+s3+$0x0], $0xffff  }
0xce: {  	v58 =	vld.idx.msk [tilespmem:v56+s3+$0x0], $0xffff;
	_ =	sdelay $0x1  }
0xcf: {  	v45 =	vld.idx.msk [tilespmem:v45+s3+$0x0], $0xffff;
	_ =	sdelay $0x2  }
0xd0: {  	v43 =	vsub.f32 v43, v37;
	v44 =	vsub.f32 v58, v40;
	_ =	sdelay $0x1  }
0xd1: {  	v45 =	vsub.f32 v45, v41;
	v43 =	vmul.f32 v43, v43;
	v44 =	vmul.f32 v44, v44;
	_ =	sdelay $0x1  }
0xd2: {  	v59 =	vmul.f32 v45, v45;
	v43 =	vadd.f32 v44, v43;
	_ =	sdelay $0x1  }
0xd3: {  	v43 =	vadd.f32 v59, v43;
	_ =	sdelay $0x1  }
0xd4: {  	v60 =	vsel vm8, $0x1, v2;
	vm8 =	vlt.f32 v43, $6.250000000e+00  }
0xd5: {  	v42 =	vadd.s32 v60, v42;
	vm8 =	vmand vm5, vm8  }
0xd6: {  	vm15 =	vlt.s32 v42, $0x10;
	vm8 =	vmand vm7, vm8  }
0xd7: {  	vm9 =	vmand vm15, vm8  }
0xd8: {  	v62 =	vadd.s32 s30, v21;
	v61 =	vadd.s32 v5, v42  }
0xd9: {  	v63 =	vand.u32 $0x3FF8, v62  }
0xda: {  	v48 =	vor.u32 $0x1, v63;
	_ =	sdelay $0x1  }
0xdb: {  	v49 =	vor.u32 s28, v12;
	v45 =	vor.u32 $0x2, v63  }
0xdc: {  	[tilespmem:v61+s13+$0x0] =	vst.idx.msk vm9, v49  }
0xdd: {  	v43 =	vld.idx.msk [tilespmem:v62+s3+$0x0], $0xffff  }
0xde: {  	v50 =	vld.idx.msk [tilespmem:v48+s3+$0x0], $0xffff;
	_ =	sdelay $0x1  }
0xdf: {  	v45 =	vld.idx.msk [tilespmem:v45+s3+$0x0], $0xffff;
	_ =	sdelay $0x2  }
0xe0: {  	v43 =	vsub.f32 v43, v37;
	v44 =	vsub.f32 v50, v40;
	_ =	sdelay $0x1  }
0xe1: {  	v45 =	vsub.f32 v45, v41;
	v43 =	vmul.f32 v43, v43;
	v44 =	vmul.f32 v44, v44;
	_ =	sdelay $0x1  }
0xe2: {  	v51 =	vmul.f32 v45, v45;
	v43 =	vadd.f32 v44, v43;
	_ =	sdelay $0x1  }
0xe3: {  	v43 =	vadd.f32 v51, v43;
	_ =	sdelay $0x1  }
0xe4: {  	v52 =	vsel vm8, $0x1, v2;
	vm8 =	vlt.f32 v43, $6.250000000e+00  }
0xe5: {  	v42 =	vadd.s32 v52, v42;
	vm8 =	vmand vm4, vm8  }
0xe6: {  	vm12 =	vlt.s32 v42, $0x10;
	vm8 =	vmand vm7, vm8  }
0xe7: {  	vm9 =	vmand vm12, vm8  }
0xe8: {  	v54 =	vor.u32 s30, v19;
	v53 =	vadd.s32 v5, v42  }
0xe9: {  	v55 =	vand.u32 $0x3FF8, v54  }
0xea: {  	v56 =	vor.u32 v22, v55;
	_ =	sdelay $0x1  }
0xeb: {  	v57 =	vor.u32 s28, v20;
	v45 =	vor.u32 v24, v55  }
0xec: {  	[tilespmem:v53+s13+$0x0] =	vst.idx.msk vm9, v57  }
0xed: {  	v43 =	vld.idx.msk [tilespmem:v54+s3+$0x0], $0xffff  }
0xee: {  	v58 =	vld.idx.msk [tilespmem:v56+s3+$0x0], $0xffff;
	_ =	sdelay $0x1  }
0xef: {  	v45 =	vld.idx.msk [tilespmem:v45+s3+$0x0], $0xffff;
	_ =	sdelay $0x2  }
0xf0: {  	v43 =	vsub.f32 v43, v37;
	v44 =	vsub.f32 v58, v40;
	_ =	sdelay $0x1  }
0xf1: {  	v45 =	vsub.f32 v45, v41;
	v43 =	vmul.f32 v43, v43;
	v44 =	vmul.f32 v44, v44;
	_ =	sdelay $0x1  }
0xf2: {  	v59 =	vmul.f32 v45, v45;
	v43 =	vadd.f32 v44, v43;
	_ =	sdelay $0x1  }
0xf3: {  	v43 =	vadd.f32 v59, v43;
	_ =	sdelay $0x1  }
0xf4: {  	v60 =	vsel vm8, $0x1, v2;
	vm8 =	vlt.f32 v43, $6.250000000e+00  }
0xf5: {  	v42 =	vadd.s32 v60, v42;
	vm8 =	vmand vm4, vm8  }
0xf6: {  	vm13 =	vlt.s32 v42, $0x10;
	vm8 =	vmand vm7, vm8  }
0xf7: {  	vm9 =	vmand vm13, vm8  }
0xf8: {  	v62 =	vadd.s32 s30, v25;
	v61 =	vadd.s32 v5, v42  }
0xf9: {  	v63 =	vand.u32 $0x3FF8, v62  }
0xfa: {  	v48 =	vor.u32 $0x1, v63;
	_ =	sdelay $0x1  }
0xfb: {  	v49 =	vor.u32 s28, v18;
	v45 =	vor.u32 $0x2, v63  }
0xfc: {  	[tilespmem:v61+s13+$0x0] =	vst.idx.msk vm9, v49  }
0xfd: {  	v43 =	vld.idx.msk [tilespmem:v62+s3+$0x0], $0xffff  }
0xfe: {  	v50 =	vld.idx.msk [tilespmem:v48+s3+$0x0], $0xffff;
	_ =	sdelay $0x1  }
0xff: {  	v45 =	vld.idx.msk [tilespmem:v45+s3+$0x0], $0xffff;
	_ =	sdelay $0x2  }
0x100: {  	v43 =	vsub.f32 v43, v37;
	v44 =	vsub.f32 v50, v40;
	_ =	sdelay $0x1  }
0x101: {  	v45 =	vsub.f32 v45, v41;
	v43 =	vmul.f32 v43, v43;
	v44 =	vmul.f32 v44, v44;
	_ =	sdelay $0x1  }
0x102: {  	v51 =	vmul.f32 v45, v45;
	v43 =	vadd.f32 v44, v43;
	_ =	sdelay $0x1  }
0x103: {  	v43 =	vadd.f32 v51, v43;
	_ =	sdelay $0x1  }
0x104: {  	v52 =	vsel vm8, $0x1, v2;
	vm8 =	vlt.f32 v43, $6.250000000e+00  }
0x105: {  	v42 =	vadd.s32 v52, v42;
	vm8 =	vmand vm3, vm8  }
0x106: {  	vm14 =	vlt.s32 v42, $0x10;
	vm8 =	vmand vm7, vm8  }
0x107: {  	vm9 =	vmand vm14, vm8  }
0x108: {  	v54 =	vadd.s32 s30, v28;
	v53 =	vadd.s32 v5, v42  }
0x109: {  	v55 =	vand.u32 $0x3FF8, v54  }
0x10a: {  	v56 =	vor.u32 $0x5, v55;
	_ =	sdelay $0x1  }
0x10b: {  	v57 =	vor.u32 s28, v4;
	v45 =	vor.u32 $0x6, v55  }
0x10c: {  	[tilespmem:v53+s13+$0x0] =	vst.idx.msk vm9, v57  }
0x10d: {  	v43 =	vld.idx.msk [tilespmem:v54+s3+$0x0], $0xffff  }
0x10e: {  	v58 =	vld.idx.msk [tilespmem:v56+s3+$0x0], $0xffff;
	_ =	sdelay $0x1  }
0x10f: {  	v45 =	vld.idx.msk [tilespmem:v45+s3+$0x0], $0xffff;
	_ =	sdelay $0x2  }
0x110: {  	v43 =	vsub.f32 v43, v37;
	v44 =	vsub.f32 v58, v40;
	_ =	sdelay $0x1  }
0x111: {  	v45 =	vsub.f32 v45, v41;
	v43 =	vmul.f32 v43, v43;
	v44 =	vmul.f32 v44, v44;
	_ =	sdelay $0x1  }
0x112: {  	v59 =	vmul.f32 v45, v45;
	v43 =	vadd.f32 v44, v43;
	_ =	sdelay $0x1  }
0x113: {  	v43 =	vadd.f32 v59, v43;
	_ =	sdelay $0x1  }
0x114: {  	v60 =	vsel vm8, $0x1, v2;
	vm8 =	vlt.f32 v43, $6.250000000e+00  }
0x115: {  	v42 =	vadd.s32 v60, v42;
	vm8 =	vmand vm3, vm8  }
0x116: {  	vm15 =	vlt.s32 v42, $0x10;
	vm8 =	vmand vm7, vm8  }
0x117: {  	vm9 =	vmand vm15, vm8  }
0x118: {  	v62 =	vor.u32 s30, v26;
	v61 =	vadd.s32 v5, v42  }
0x119: {  	v63 =	vand.u32 $0x3FF8, v62  }
0x11a: {  	v48 =	vor.u32 v29, v63;
	_ =	sdelay $0x1  }
0x11b: {  	v49 =	vor.u32 s28, v27;
	v45 =	vor.u32 v31, v63  }
0x11c: {  	[tilespmem:v61+s13+$0x0] =	vst.idx.msk vm9, v49  }
0x11d: {  	v43 =	vld.idx.msk [tilespmem:v62+s3+$0x0], $0xffff  }
0x11e: {  	v50 =	vld.idx.msk [tilespmem:v48+s3+$0x0], $0xffff;
	_ =	sdelay $0x1  }
0x11f: {  	v45 =	vld.idx.msk [tilespmem:v45+s3+$0x0], $0xffff;
	_ =	sdelay $0x2  }
0x120: {  	v43 =	vsub.f32 v43, v37;
	v44 =	vsub.f32 v50, v40;
	_ =	sdelay $0x1  }
0x121: {  	v45 =	vsub.f32 v45, v41;
	v43 =	vmul.f32 v43, v43;
	v44 =	vmul.f32 v44, v44;
	_ =	sdelay $0x1  }
0x122: {  	v51 =	vmul.f32 v45, v45;
	v43 =	vadd.f32 v44, v43;
	_ =	sdelay $0x1  }
0x123: {  	v43 =	vadd.f32 v51, v43;
	_ =	sdelay $0x1  }
0x124: {  	v52 =	vsel vm8, $0x1, v2;
	vm8 =	vlt.f32 v43, $6.250000000e+00  }
0x125: {  	v42 =	vadd.s32 v52, v42;
	vm8 =	vmand vm2, vm8  }
0x126: {  	vm12 =	vlt.s32 v42, $0x10;
	vm8 =	vmand vm7, vm8  }
0x127: {  	vm9 =	vmand vm12, vm8  }
0x128: {  	v54 =	vadd.s32 s30, v34;
	v53 =	vadd.s32 v5, v42  }
0x129: {  	v55 =	vand.u32 $0x3FF8, v54  }
0x12a: {  	v56 =	vor.u32 $0x5, v55;
	_ =	sdelay $0x1  }
0x12b: {  	v57 =	vor.u32 s28, v23;
	v45 =	vor.u32 $0x6, v55  }
0x12c: {  	[tilespmem:v53+s13+$0x0] =	vst.idx.msk vm9, v57  }
0x12d: {  	v43 =	vld.idx.msk [tilespmem:v54+s3+$0x0], $0xffff  }
0x12e: {  	v58 =	vld.idx.msk [tilespmem:v56+s3+$0x0], $0xffff;
	_ =	sdelay $0x1  }
0x12f: {  	v45 =	vld.idx.msk [tilespmem:v45+s3+$0x0], $0xffff;
	_ =	sdelay $0x2  }
0x130: {  	v43 =	vsub.f32 v43, v37;
	v44 =	vsub.f32 v58, v40;
	_ =	sdelay $0x1  }
0x131: {  	v45 =	vsub.f32 v45, v41;
	v43 =	vmul.f32 v43, v43;
	v44 =	vmul.f32 v44, v44;
	_ =	sdelay $0x1  }
0x132: {  	v59 =	vmul.f32 v45, v45;
	v43 =	vadd.f32 v44, v43;
	_ =	sdelay $0x1  }
0x133: {  	v43 =	vadd.f32 v59, v43;
	_ =	sdelay $0x1  }
0x134: {  	v60 =	vsel vm8, $0x1, v2;
	vm8 =	vlt.f32 v43, $6.250000000e+00  }
0x135: {  	v42 =	vadd.s32 v60, v42;
	vm8 =	vmand vm2, vm8  }
0x136: {  	vm13 =	vlt.s32 v42, $0x10;
	vm8 =	vmand vm7, vm8  }
0x137: {  	vm9 =	vmand vm13, vm8  }
0x138: {  	v62 =	vor.u32 s30, v32;
	v61 =	vadd.s32 v5, v42  }
0x139: {  	v63 =	vand.u32 $0x3FF8, v62  }
0x13a: {  	v48 =	vor.u32 v35, v63;
	_ =	sdelay $0x1  }
0x13b: {  	v49 =	vor.u32 s28, v33;
	v45 =	vor.u32 v38, v63  }
0x13c: {  	[tilespmem:v61+s13+$0x0] =	vst.idx.msk vm9, v49  }
0x13d: {  	v43 =	vld.idx.msk [tilespmem:v62+s3+$0x0], $0xffff  }
0x13e: {  	v50 =	vld.idx.msk [tilespmem:v48+s3+$0x0], $0xffff;
	_ =	sdelay $0x1  }
0x13f: {  	v45 =	vld.idx.msk [tilespmem:v45+s3+$0x0], $0xffff;
	_ =	sdelay $0x2  }
0x140: {  	v43 =	vsub.f32 v43, v37;
	v44 =	vsub.f32 v50, v40;
	_ =	sdelay $0x1  }
0x141: {  	v45 =	vsub.f32 v45, v41;
	v43 =	vmul.f32 v43, v43;
	v44 =	vmul.f32 v44, v44;
	_ =	sdelay $0x1  }
0x142: {  	v51 =	vmul.f32 v45, v45;
	v43 =	vadd.f32 v44, v43;
	_ =	sdelay $0x1  }
0x143: {  	v43 =	vadd.f32 v51, v43;
	_ =	sdelay $0x1  }
0x144: {  	v52 =	vsel vm8, $0x1, v2;
	vm8 =	vlt.f32 v43, $6.250000000e+00  }
0x145: {  	v42 =	vadd.s32 v52, v42;
	vm8 =	vmand vm1, vm8  }
0x146: {  	vm14 =	vlt.s32 v42, $0x10;
	vm8 =	vmand vm7, vm8  }
0x147: {  	vm9 =	vmand vm14, vm8  }
0x148: {  	v54 =	vadd.s32 s30, v39;
	v53 =	vadd.s32 v5, v42  }
0x149: {  	v55 =	vand.u32 $0x3FF8, v54  }
0x14a: {  	v56 =	vor.u32 $0x5, v55;
	_ =	sdelay $0x1  }
0x14b: {  	v57 =	vor.u32 s28, v30;
	v45 =	vor.u32 $0x6, v55  }
0x14c: {  	[tilespmem:v53+s13+$0x0] =	vst.idx.msk vm9, v57  }
0x14d: {  	v43 =	vld.idx.msk [tilespmem:v54+s3+$0x0], $0xffff  }
0x14e: {  	v58 =	vld.idx.msk [tilespmem:v56+s3+$0x0], $0xffff;
	_ =	sdelay $0x1  }
0x14f: {  	v45 =	vld.idx.msk [tilespmem:v45+s3+$0x0], $0xffff;
	_ =	sdelay $0x2  }
0x150: {  	v43 =	vsub.f32 v43, v37;
	v44 =	vsub.f32 v58, v40;
	_ =	sdelay $0x1  }
0x151: {  	v45 =	vsub.f32 v45, v41;
	v43 =	vmul.f32 v43, v43;
	v44 =	vmul.f32 v44, v44;
	_ =	sdelay $0x1  }
0x152: {  	v59 =	vmul.f32 v45, v45;
	v43 =	vadd.f32 v44, v43;
	_ =	sdelay $0x1  }
0x153: {  	v43 =	vadd.f32 v59, v43;
	_ =	sdelay $0x1  }
0x154: {  	vm15 =	vlt.f32 v43, $6.250000000e+00  }
0x155: {  	vm9 =	vmand vm1, vm15  }
0x156: {  	v60 =	vsel vm8, $0x1, v2;
	vm7 =	vmand vm7, vm9  }
0x157: {  	v43 =	vadd.s32 v60, v42;
	v61 =	vsel vm7, $0x1, v2  }
0x158: {  	v42 =	vadd.s32 v61, v43  }
0x159: {  	v62 =	vxor.u32 $0x80000000, v42  }
0x15a: {  	(xrf0) =	vmin.scan.msk.u32 $0xffff, v62;
	_ =	sdelay $0x5  }
0x15b: {  	v44, _, _ =	vpop (xrf0)  }
0x15c: {  	(v2sf) =	vpush v44, $0xF;
	_ =	sdelay $0xe  }
0x15d: {  	p2 =	sgt.u32 s29, $0x4;
	vm8 =	vlt.s32 v43, $0x10;
	s30 =	spop (v2sf)  }
0x15e: {  	vm7 =	vmand vm8, vm7;
	p3 =	slt.u32 @!p2 s30, $0x80000010  }
0x15f: {  	v43 =	vadd.s32 v5, v43;
	p2 =	por p2, !p3  }
.Ltmp8:
0x160: {  	_ = 	snop;
	(pc) =	sbr.rel @!p2 .LBB2_7-.Ltmp8, $3  }
0x161: {  	_ =	sdelay $0x1  }
0x162: {  	v63 =	vor.u32 s28, v36  }
0x163: {  	s29 =	sadd.s32 $0x1, s29;
	s28 =	sadd.s32 $0x200, s28;
	[tilespmem:v43+s13+$0x0] =	vst.idx.msk vm7, v63  }
.Ltmp9:
0x164: {  	_ = 	snop;
	(pc) =	sbr.rel .LBB2_8-.Ltmp9, $1  }
0x165: {  	_ =	sdelay $0x3  }
.LBB2_11:
0x166: {  	_ =	sfence.sel $0x180000  }
0x167: {  	[bflag:$0x0] =	sbarrier.arrive $0xFFFF  }
0x168: {  	p0 =	sne.s32 s4, $0x0;
	_ =	strace $0x90000047  }
0x169: {  	s0 =	sadd.s32 @!p0 $0x100000, s0;
	[bflag:$0x2] =	sbarrier.arrive $0xFFFF  }
0x16a: {  	[sflag:s0] =	ssyncadd.tile.s32 @!p0 $0x1;
	_ =	shalt  }
.Lfunc_end2:
_tile_overlayer_lowered:
.L_overlay_start_2:
0x16b: {  	(tag) =	ssettag $0x2  }
0x16c: {  	s0 =	rddreg [dreg:$0x0];
	s2 =	stileid.u32  }
0x16d: {  	s1 =	rddreg [dreg:$0x1];
	p0 =	sne.s32 s2, $0x0  }
0x16e: {  	s3 =	rddreg [dreg:$0x2];
	[bflag:$0x3] =	sbarrier.arrive $0xFFFF;
	s2 =	simm.s32 @!p0 $0x1C03  }
0x16f: {  	[timem:s3], [sflag:s2] =	dma.local @!p0 [hbm:s0], s1  }
0x170: {  	s0 =	simm.s32 @!p0 $0x3  }
0x171: {  	_ =	swait.ge @!p0 [sflag:s0], s1  }
0x172: {  	s1 =	ssub.s32 @!p0 $0x0, s1;
	[sflag:s0] =	ssyncset.done @!p0 $0x0  }
0x173: {  	[sflag:s0] =	ssyncadd.s32 @!p0 s1  }
0x174: {  	[bflag:$0x3] =	sbarrier.arrive $0xFFFF  }
0x175: {  	_ =	shalt  }

</sc_bundles>
